<compile_context>
chip_gen: v7x
topology: tpu7x:2x2x1
jax: 0.10.2.dev20260603
libtpu: 0.0.44.dev20260713+nightly
codegen_flags: <defaults>
</compile_context>

<pallas_src>
import functools

import jax
import jax.numpy as jnp
from jax import lax
from jax.experimental import pallas as pl
from jax.experimental.pallas import tpu as pltpu
from jax.experimental.pallas import tpu_sc as plsc

N_NODES = 10000
N_EDGES = 160000
D = 256
DH = D // 2
NUM_CORES = 2
NUM_SUBCORES = 16
EDGES_PER_TILE = N_EDGES // NUM_SUBCORES
CHUNK = 80
SUPER = 2000
NUM_SUPER = EDGES_PER_TILE // SUPER
CHUNKS_PER_SUPER = SUPER // CHUNK
ROWS_PER_TILE = N_NODES // NUM_SUBCORES
DEG_W = 16


def _sc_segment_sum(xcat, src, dst, zrow, zdeg, ones):
  mesh = plsc.VectorSubcoreMesh(core_axis_name="c", subcore_axis_name="s")

  @functools.partial(
      pl.kernel,
      mesh=mesh,
      compiler_params=pltpu.CompilerParams(use_tc_tiling_on_sc=False),
      out_type=[
          jax.ShapeDtypeStruct((NUM_CORES, N_NODES, DH), jnp.float32),
          jax.ShapeDtypeStruct((N_NODES, DEG_W), jnp.float32),
      ],
      scratch_types=[
          pltpu.VMEM_SHARED((N_NODES, DH), jnp.float32),
          pltpu.VMEM_SHARED((N_NODES, DEG_W), jnp.float32),
          pltpu.VMEM((SUPER,), jnp.int32),
          pltpu.VMEM((SUPER,), jnp.int32),
          pltpu.VMEM((CHUNK, DH), jnp.float32),
          pltpu.VMEM((CHUNK, DH), jnp.float32),
          pltpu.VMEM((CHUNK, DH), jnp.float32),
          pltpu.VMEM((CHUNK,), jnp.int32),
          pltpu.VMEM((CHUNK,), jnp.int32),
          pltpu.VMEM((CHUNK,), jnp.int32),
          pltpu.VMEM((CHUNK, DEG_W), jnp.float32),
          pltpu.SemaphoreType.DMA,
          pltpu.SemaphoreType.DMA,
          pltpu.SemaphoreType.DMA,
          pltpu.SemaphoreType.DMA,
          pltpu.SemaphoreType.DMA,
          pltpu.SemaphoreType.DMA,
          pltpu.SemaphoreType.DMA,
          pltpu.SemaphoreType.DMA,
          pltpu.SemaphoreType.DMA,
      ],
  )
  def body(xcat_hbm, src_hbm, dst_hbm, zrow_hbm, zdeg_hbm, ones_hbm,
           agg_out, deg_out, agg_sh, deg_sh, src_v, dst_v, rows_a, rows_b,
           rows_c, dsti_a, dsti_b, dsti_c, ones_v, gsem_a, gsem_b, gsem_c,
           ssem_a, ssem_b, ssem_c, dsem_a, dsem_b, dsem_c):
    c = lax.axis_index("c")
    s = lax.axis_index("s")
    e0 = s * EDGES_PER_TILE
    r0 = s * ROWS_PER_TILE

    pltpu.sync_copy(zrow_hbm, agg_sh.at[pl.ds(r0, ROWS_PER_TILE)])

    @pl.when(c == 0)
    def _():
      pltpu.sync_copy(zdeg_hbm, deg_sh.at[pl.ds(r0, ROWS_PER_TILE)])
      pltpu.sync_copy(ones_hbm, ones_v)

    plsc.subcore_barrier()

    cvec = jnp.full((16,), c, dtype=jnp.int32)

    def gather_start(i, rows_buf, sem):
      pltpu.async_copy(
          xcat_hbm.at[src_v.at[pl.ds(i * CHUNK, CHUNK)]], rows_buf, sem)

    def gather_drain(rows_buf, sem):
      pltpu.make_async_copy(xcat_hbm.at[pl.ds(0, CHUNK)], rows_buf, sem).wait()

    def stage(i, dsti_buf):
      for j in range(CHUNK // 16):
        dsti_buf[pl.ds(j * 16, 16)] = dst_v[pl.ds(i * CHUNK + j * 16, 16)]

    def scatter_start(rows_buf, dsti_buf, ssem, dsem):
      pltpu.async_copy(rows_buf, agg_sh.at[dsti_buf], ssem, add=True)

      @pl.when(c == 0)
      def _():
        pltpu.async_copy(ones_v, deg_sh.at[dsti_buf], dsem, add=True)

    def scatter_drain(rows_buf, ssem, dsem):
      pltpu.make_async_copy(rows_buf, agg_sh.at[pl.ds(0, CHUNK)], ssem).wait()

      @pl.when(c == 0)
      def _():
        pltpu.make_async_copy(ones_v, deg_sh.at[pl.ds(0, CHUNK)], dsem).wait()

    def super_body(sc, _):
      pltpu.sync_copy(src_hbm.at[pl.ds(e0 + sc * SUPER, SUPER)], src_v)
      pltpu.sync_copy(dst_hbm.at[pl.ds(e0 + sc * SUPER, SUPER)], dst_v)

      def add_bias(i, _):
        src_v[pl.ds(i * 16, 16)] = src_v[pl.ds(i * 16, 16)] * 2 + cvec
        return 0

      lax.fori_loop(0, SUPER // 16, add_bias, 0)

      def step(i, rows_buf, dsti_buf, gsem, ssem, dsem, restart):
        gather_drain(rows_buf, gsem)
        stage(i, dsti_buf)
        scatter_start(rows_buf, dsti_buf, ssem, dsem)
        scatter_drain(rows_buf, ssem, dsem)
        if restart:
          gather_start(i + 3, rows_buf, gsem)

      gather_start(0, rows_a, gsem_a)
      gather_start(1, rows_b, gsem_b)
      gather_start(2, rows_c, gsem_c)

      def triple_body(t, _):
        i0 = 3 * t
        step(i0, rows_a, dsti_a, gsem_a, ssem_a, dsem_a, True)
        step(i0 + 1, rows_b, dsti_b, gsem_b, ssem_b, dsem_b, True)
        step(i0 + 2, rows_c, dsti_c, gsem_c, ssem_c, dsem_c, True)
        return 0

      n_triples = (CHUNKS_PER_SUPER - 4) // 3
      lax.fori_loop(0, n_triples, triple_body, 0)

      i_tail = 3 * n_triples
      step(i_tail, rows_a, dsti_a, gsem_a, ssem_a, dsem_a, True)
      step(i_tail + 1, rows_b, dsti_b, gsem_b, ssem_b, dsem_b, False)
      step(i_tail + 2, rows_c, dsti_c, gsem_c, ssem_c, dsem_c, False)
      step(i_tail + 3, rows_a, dsti_a, gsem_a, ssem_a, dsem_a, False)
      return 0

    lax.fori_loop(0, NUM_SUPER, super_body, 0)

    plsc.subcore_barrier()

    pltpu.sync_copy(agg_sh.at[pl.ds(r0, ROWS_PER_TILE)],
                    agg_out.at[c, pl.ds(r0, ROWS_PER_TILE)])

    @pl.when(c == 0)
    def _():
      pltpu.sync_copy(deg_sh.at[pl.ds(r0, ROWS_PER_TILE)],
                      deg_out.at[pl.ds(r0, ROWS_PER_TILE)])

  return body(xcat, src, dst, zrow, zdeg, ones)


ROW_BLOCK = 1000
GRID = N_NODES // ROW_BLOCK


def _tc_body(x_ref, aggl_ref, aggr_ref, deg_ref, ws_ref, wnt_ref, wnb_ref,
             b_ref, gamma_ref, beta_ref, out_ref):
  scale = 1.0 / jnp.maximum(deg_ref[:, 0:1], 1.0)
  h = jnp.dot(x_ref[:], ws_ref[:], preferred_element_type=jnp.float32)
  h += jnp.dot(aggl_ref[0] * scale, wnt_ref[:],
               preferred_element_type=jnp.float32)
  h += jnp.dot(aggr_ref[0] * scale, wnb_ref[:],
               preferred_element_type=jnp.float32)
  h += b_ref[:]
  mu = jnp.mean(h, axis=-1, keepdims=True)
  d = h - mu
  var = jnp.mean(d * d, axis=-1, keepdims=True)
  y = d * lax.rsqrt(var + 1e-5) * gamma_ref[:] + beta_ref[:]
  out_ref[:] = jnp.maximum(y, 0.0)


def _tc_dense(x, agg2, deg16, W_self, W_nbr_t, W_nbr_b, b, gamma, beta):
  row_spec = lambda w: pl.BlockSpec((ROW_BLOCK, w), lambda i: (i, 0))
  full_spec = lambda a, b_: pl.BlockSpec((a, b_), lambda i: (0, 0))
  agg_spec = lambda c: pl.BlockSpec((1, ROW_BLOCK, DH), lambda i: (c, i, 0))
  return pl.pallas_call(
      _tc_body,
      grid=(GRID,),
      in_specs=[
          row_spec(D),
          agg_spec(0),
          agg_spec(1),
          row_spec(DEG_W),
          full_spec(D, D),
          full_spec(DH, D),
          full_spec(DH, D),
          full_spec(1, D),
          full_spec(1, D),
          full_spec(1, D),
      ],
      out_specs=row_spec(D),
      out_shape=jax.ShapeDtypeStruct((N_NODES, D), jnp.float32),
  )(x, agg2, agg2, deg16, W_self, W_nbr_t, W_nbr_b, b, gamma, beta)


def kernel(x, edge_index, W_self, W_nbr, b, gamma, beta):
  src = edge_index[0].astype(jnp.int32)
  dst = edge_index[1].astype(jnp.int32)
  xcat = x.reshape(2 * N_NODES, DH)
  zrow = jnp.zeros((ROWS_PER_TILE, DH), jnp.float32)
  zdeg = jnp.zeros((ROWS_PER_TILE, DEG_W), jnp.float32)
  ones = jnp.ones((CHUNK, DEG_W), jnp.float32)

  agg2, deg16 = _sc_segment_sum(xcat, src, dst, zrow, zdeg, ones)

  return _tc_dense(x, agg2, deg16,
                   W_self, W_nbr[:DH], W_nbr[DH:],
                   b.reshape(1, D), gamma.reshape(1, D), beta.reshape(1, D))

# --- scband reference (transcript-rebuilt; emitter-appended) ---
"""Pipeline reference for scband-billboard-allocator-gnn-22419729285978 (READ-ONLY COPY).

The authoritative reference and input builder live on the scoring server;
editing this copy changes nothing except your own understanding.
"""

import jax, jax.numpy as jnp
import numpy as np

N_NODES = 10000
N_EDGES = 160000
D = 256

def setup_inputs(seed: int = 0) -> dict:
    key = jax.random.key(seed)
    k1, k2, k3, k4, k5 = jax.random.split(key, 5)
    x = jax.random.normal(k1, (N_NODES, D), dtype=jnp.float32)
    edge_index = jax.random.randint(k2, (2, N_EDGES), 0, N_NODES, dtype=jnp.int64)
    scale = 1.0 / np.sqrt(D)
    W_self = jax.random.normal(k3, (D, D), dtype=jnp.float32) * scale
    W_nbr = jax.random.normal(k4, (D, D), dtype=jnp.float32) * scale
    b = jnp.zeros((D,), dtype=jnp.float32)
    gamma = jnp.ones((D,), dtype=jnp.float32)
    beta = jnp.zeros((D,), dtype=jnp.float32)
    return {"x": x, "edge_index": edge_index, "W_self": W_self, "W_nbr": W_nbr, "b": b, "gamma": gamma, "beta": beta}

def reference(x, edge_index, W_self, W_nbr, b, gamma, beta):
    # GraphEncoder message-passing layer: transform neighbor features, gather by
    # source node, scatter-add (mean) to destination node, combine with self
    # transform, then LayerNorm + ReLU (as in BillboardAllocatorGNN's GraphEncoder).
    src = edge_index[0]
    dst = edge_index[1]
    msg = jnp.take(x, src, axis=0) @ W_nbr                      # gather + matmul
    agg = jax.ops.segment_sum(msg, dst, num_segments=N_NODES)   # scatter-add
    deg = jax.ops.segment_sum(jnp.ones((N_EDGES,), dtype=jnp.float32), dst, num_segments=N_NODES)
    agg = agg / jnp.clip(deg, 1.0)[:, None]                     # mean aggregation
    h = x @ W_self + agg + b
    mu = jnp.mean(h, axis=-1, keepdims=True)
    var = jnp.var(h, axis=-1, keepdims=True)
    h = (h - mu) / jnp.sqrt(var + 1e-5) * gamma + beta          # LayerNorm
    return jax.nn.relu(h)

if __name__ == "__main__":
    import jax
    _d = setup_inputs()
    print(jax.jit(kernel)(*tuple(_d.values())))

</pallas_src>

<mosaic_0001>
#map = affine_map<(d0, d1) -> (0, 0)>
#map1 = affine_map<(d0, d1) -> (0)>
#map2 = affine_map<(d0, d1) -> (0, 0, 0)>
module attributes {stable_mosaic.version = 14 : i64} {
  func.func @body(%arg0: i32, %arg1: i32, %arg2: memref<20000x128xf32, #tpu.memory_space<hbm>>, %arg3: memref<160000xi32, #tpu.memory_space<hbm>>, %arg4: memref<160000xi32, #tpu.memory_space<hbm>>, %arg5: memref<625x128xf32, #tpu.memory_space<hbm>>, %arg6: memref<625x16xf32, #tpu.memory_space<hbm>>, %arg7: memref<80x16xf32, #tpu.memory_space<hbm>>, %arg8: memref<2x10000x128xf32, #tpu.memory_space<hbm>>, %arg9: memref<10000x16xf32, #tpu.memory_space<hbm>>, %arg10: memref<10000x128xf32, #tpu.memory_space<vmem_shared>>, %arg11: memref<10000x16xf32, #tpu.memory_space<vmem_shared>>, %arg12: memref<2000xi32, #tpu.memory_space<vmem>>, %arg13: memref<2000xi32, #tpu.memory_space<vmem>>, %arg14: memref<80x128xf32, #tpu.memory_space<vmem>>, %arg15: memref<80x128xf32, #tpu.memory_space<vmem>>, %arg16: memref<80x128xf32, #tpu.memory_space<vmem>>, %arg17: memref<80xi32, #tpu.memory_space<vmem>>, %arg18: memref<80xi32, #tpu.memory_space<vmem>>, %arg19: memref<80xi32, #tpu.memory_space<vmem>>, %arg20: memref<80x16xf32, #tpu.memory_space<vmem>>, %arg21: memref<!tpu.dma_semaphore, #tpu.memory_space<semaphore_mem>>, %arg22: memref<!tpu.dma_semaphore, #tpu.memory_space<semaphore_mem>>, %arg23: memref<!tpu.dma_semaphore, #tpu.memory_space<semaphore_mem>>, %arg24: memref<!tpu.dma_semaphore, #tpu.memory_space<semaphore_mem>>, %arg25: memref<!tpu.dma_semaphore, #tpu.memory_space<semaphore_mem>>, %arg26: memref<!tpu.dma_semaphore, #tpu.memory_space<semaphore_mem>>, %arg27: memref<!tpu.dma_semaphore, #tpu.memory_space<semaphore_mem>>, %arg28: memref<!tpu.dma_semaphore, #tpu.memory_space<semaphore_mem>>, %arg29: memref<!tpu.dma_semaphore, #tpu.memory_space<semaphore_mem>>) attributes {dimension_semantics = [#tpu.dimension_semantics<core_parallel>, #tpu.dimension_semantics<subcore_parallel>], iteration_bounds = array<i64: 2, 16>, scalar_prefetch = 0 : i64, scratch_operands = 20 : i64, tpu.core_type = #tpu.core_type<sc_vector_subcore>, window_params = [{transform_indices = #map}, {transform_indices = #map1}, {transform_indices = #map1}, {transform_indices = #map}, {transform_indices = #map}, {transform_indices = #map}, {transform_indices = #map2}, {transform_indices = #map}]} {
    %mul3A = arith.constant 10000 : i32
    %mul3A_0 = arith.muli %arg1, %mul3A : i32
    %mul3A_1 = arith.constant 625 : i32
    %mul3A_2 = arith.muli %arg1, %mul3A_1 : i32
    "tpu.region"() ({
      %run_scoped3A = tpu.sem_alloc : memref<!tpu.dma_semaphore, #tpu.memory_space<semaphore_mem>>
      %dma_start3A = arith.constant 0 : i32
      %dma_start3A_17 = tpu.memref_slice %arg10[%mul3A_2, %dma_start3A] : memref<10000x128xf32, #tpu.memory_space<vmem_shared>> -> memref<625x128xf32, #tpu.memory_space<vmem_shared>>
      tpu.enqueue_dma source(%arg5 : memref<625x128xf32, #tpu.memory_space<hbm>>) target(%dma_start3A_17 : memref<625x128xf32, #tpu.memory_space<vmem_shared>>) target_semaphore(%run_scoped3A : memref<!tpu.dma_semaphore, #tpu.memory_space<semaphore_mem>>)
      %dma_wait3A = arith.constant 0 : i32
      %dma_wait3A_18 = tpu.memref_slice %arg10[%mul3A_2, %dma_wait3A] : memref<10000x128xf32, #tpu.memory_space<vmem_shared>> -> memref<625x128xf32, #tpu.memory_space<vmem_shared>>
      tpu.wait_dma2 semaphore(%run_scoped3A : memref<!tpu.dma_semaphore, #tpu.memory_space<semaphore_mem>>) src(%arg5 : memref<625x128xf32, #tpu.memory_space<hbm>>) dst(%dma_wait3A_18 : memref<625x128xf32, #tpu.memory_space<vmem_shared>>)
      tpu.yield
    }) : () -> ()
    %eq3A = arith.constant 0 : i32
    %eq3A_3 = arith.cmpi eq, %arg0, %eq3A : i32
    %convert_element_type3A = arith.extui %eq3A_3 : i1 to i32
    %cond3A = arith.constant 0 : i32
    %cond3A_4 = arith.cmpi ne, %convert_element_type3A, %cond3A : i32
    scf.if %cond3A_4 {
      "tpu.region"() ({
        %run_scoped3A = tpu.sem_alloc : memref<!tpu.dma_semaphore, #tpu.memory_space<semaphore_mem>>
        %dma_start3A = arith.constant 0 : i32
        %dma_start3A_17 = tpu.memref_slice %arg11[%mul3A_2, %dma_start3A] : memref<10000x16xf32, #tpu.memory_space<vmem_shared>> -> memref<625x16xf32, #tpu.memory_space<vmem_shared>>
        tpu.enqueue_dma source(%arg6 : memref<625x16xf32, #tpu.memory_space<hbm>>) target(%dma_start3A_17 : memref<625x16xf32, #tpu.memory_space<vmem_shared>>) target_semaphore(%run_scoped3A : memref<!tpu.dma_semaphore, #tpu.memory_space<semaphore_mem>>)
        %dma_wait3A = arith.constant 0 : i32
        %dma_wait3A_18 = tpu.memref_slice %arg11[%mul3A_2, %dma_wait3A] : memref<10000x16xf32, #tpu.memory_space<vmem_shared>> -> memref<625x16xf32, #tpu.memory_space<vmem_shared>>
        tpu.wait_dma2 semaphore(%run_scoped3A : memref<!tpu.dma_semaphore, #tpu.memory_space<semaphore_mem>>) src(%arg6 : memref<625x16xf32, #tpu.memory_space<hbm>>) dst(%dma_wait3A_18 : memref<625x16xf32, #tpu.memory_space<vmem_shared>>)
        tpu.yield
      }) : () -> ()
      "tpu.region"() ({
        %run_scoped3A = tpu.sem_alloc : memref<!tpu.dma_semaphore, #tpu.memory_space<semaphore_mem>>
        tpu.enqueue_dma source(%arg7 : memref<80x16xf32, #tpu.memory_space<hbm>>) target(%arg20 : memref<80x16xf32, #tpu.memory_space<vmem>>) target_semaphore(%run_scoped3A : memref<!tpu.dma_semaphore, #tpu.memory_space<semaphore_mem>>)
        tpu.wait_dma2 semaphore(%run_scoped3A : memref<!tpu.dma_semaphore, #tpu.memory_space<semaphore_mem>>) src(%arg7 : memref<80x16xf32, #tpu.memory_space<hbm>>) dst(%arg20 : memref<80x16xf32, #tpu.memory_space<vmem>>)
        tpu.yield
      }) : () -> ()
    } else {
    }
    %barrier3A = arith.constant 0 : index
    tpu.barrier barrier_id(%barrier3A)
    %broadcast_in_dim3A = vector.broadcast %arg0 : i32 to vector<16xi32>
    %scan3A = arith.constant 0 : i32
    %scan3A_5 = arith.constant 0 : i32
    %scan3A_6 = arith.constant 5 : i32
    %scan3A_7 = arith.addi %scan3A_5, %scan3A_6 : i32
    %scan3A_8 = arith.constant 1 : i32
    %scan3A_9 = scf.for %scan3A_17 = %scan3A_5 to %scan3A_7 step %scan3A_8 iter_args(%scan3A_18 = %scan3A) -> (i32)  : i32 {
      %mul3A_19 = arith.constant 2000 : i32
      %mul3A_20 = arith.muli %scan3A_17, %mul3A_19 : i32
      %add3A = arith.addi %mul3A_0, %mul3A_20 : i32
      "tpu.region"() ({
        %run_scoped3A = tpu.sem_alloc : memref<!tpu.dma_semaphore, #tpu.memory_space<semaphore_mem>>
        %dma_start3A_295 = tpu.memref_slice %arg3[%add3A] : memref<160000xi32, #tpu.memory_space<hbm>> -> memref<2000xi32, #tpu.memory_space<hbm>>
        %dma_start3A_296 = tpu.memref_slice %arg3[%add3A] : memref<160000xi32, #tpu.memory_space<hbm>> -> memref<2000xi32, #tpu.memory_space<hbm>>
        tpu.enqueue_dma source(%dma_start3A_296 : memref<2000xi32, #tpu.memory_space<hbm>>) target(%arg12 : memref<2000xi32, #tpu.memory_space<vmem>>) target_semaphore(%run_scoped3A : memref<!tpu.dma_semaphore, #tpu.memory_space<semaphore_mem>>)
        %dma_wait3A_297 = tpu.memref_slice %arg3[%add3A] : memref<160000xi32, #tpu.memory_space<hbm>> -> memref<2000xi32, #tpu.memory_space<hbm>>
        %dma_wait3A_298 = tpu.memref_slice %arg3[%add3A] : memref<160000xi32, #tpu.memory_space<hbm>> -> memref<2000xi32, #tpu.memory_space<hbm>>
        tpu.wait_dma2 semaphore(%run_scoped3A : memref<!tpu.dma_semaphore, #tpu.memory_space<semaphore_mem>>) src(%dma_wait3A_298 : memref<2000xi32, #tpu.memory_space<hbm>>) dst(%arg12 : memref<2000xi32, #tpu.memory_space<vmem>>)
        tpu.yield
      }) : () -> ()
      %mul3A_21 = arith.constant 2000 : i32
      %mul3A_22 = arith.muli %scan3A_17, %mul3A_21 : i32
      %add3A_23 = arith.addi %mul3A_0, %mul3A_22 : i32
      "tpu.region"() ({
        %run_scoped3A = tpu.sem_alloc : memref<!tpu.dma_semaphore, #tpu.memory_space<semaphore_mem>>
        %dma_start3A_295 = tpu.memref_slice %arg4[%add3A_23] : memref<160000xi32, #tpu.memory_space<hbm>> -> memref<2000xi32, #tpu.memory_space<hbm>>
        %dma_start3A_296 = tpu.memref_slice %arg4[%add3A_23] : memref<160000xi32, #tpu.memory_space<hbm>> -> memref<2000xi32, #tpu.memory_space<hbm>>
        tpu.enqueue_dma source(%dma_start3A_296 : memref<2000xi32, #tpu.memory_space<hbm>>) target(%arg13 : memref<2000xi32, #tpu.memory_space<vmem>>) target_semaphore(%run_scoped3A : memref<!tpu.dma_semaphore, #tpu.memory_space<semaphore_mem>>)
        %dma_wait3A_297 = tpu.memref_slice %arg4[%add3A_23] : memref<160000xi32, #tpu.memory_space<hbm>> -> memref<2000xi32, #tpu.memory_space<hbm>>
        %dma_wait3A_298 = tpu.memref_slice %arg4[%add3A_23] : memref<160000xi32, #tpu.memory_space<hbm>> -> memref<2000xi32, #tpu.memory_space<hbm>>
        tpu.wait_dma2 semaphore(%run_scoped3A : memref<!tpu.dma_semaphore, #tpu.memory_space<semaphore_mem>>) src(%dma_wait3A_298 : memref<2000xi32, #tpu.memory_space<hbm>>) dst(%arg13 : memref<2000xi32, #tpu.memory_space<vmem>>)
        tpu.yield
      }) : () -> ()
      %scan3A_24 = arith.constant 0 : i32
      %scan3A_25 = arith.constant 0 : i32
      %scan3A_26 = arith.constant 125 : i32
      %scan3A_27 = arith.addi %scan3A_25, %scan3A_26 : i32
      %scan3A_28 = arith.constant 1 : i32
      %scan3A_29 = scf.for %scan3A_295 = %scan3A_25 to %scan3A_27 step %scan3A_28 iter_args(%scan3A_296 = %scan3A_24) -> (i32)  : i32 {
        %mul3A_297 = arith.constant 16 : i32
        %mul3A_298 = arith.muli %scan3A_295, %mul3A_297 : i32
        %get3A_299 = arith.index_cast %mul3A_298 : i32 to index
        %get3A_300 = tpu.vector_load %arg12[%get3A_299] {strides = array<i32>} : memref<2000xi32, #tpu.memory_space<vmem>>, vector<16xi32>,
        %get3A_301 = vector.shape_cast %get3A_300 : vector<16xi32> to vector<16xi32>
        %mul3A_302 = arith.constant 2 : i32
        %mul3A_303 = vector.broadcast %mul3A_302 : i32 to vector<16xi32>
        %mul3A_304 = arith.muli %get3A_301, %mul3A_303 : vector<16xi32>
        %add3A_305 = arith.addi %mul3A_304, %broadcast_in_dim3A : vector<16xi32>
        %mul3A_306 = arith.constant 16 : i32
        %mul3A_307 = arith.muli %scan3A_295, %mul3A_306 : i32
        %swap3A_308 = arith.index_cast %mul3A_307 : i32 to index
        %swap3A_309 = tpu.vector_load %arg12[%swap3A_308] {strides = array<i32>} : memref<2000xi32, #tpu.memory_space<vmem>>, vector<16xi32>,
        %swap3A_310 = vector.shape_cast %swap3A_309 : vector<16xi32> to vector<16xi32>
        %swap3A_311 = vector.shape_cast %add3A_305 : vector<16xi32> to vector<16xi32>
        tpu.vector_store %arg12[%swap3A_308], %swap3A_311 {strides = array<i32>} : memref<2000xi32, #tpu.memory_space<vmem>>, vector<16xi32>,
        %scan3A_312 = arith.constant 0 : i32
        scf.yield %scan3A_312 : i32
      }
      %scan3A_30 = arith.constant 125 : i32
      %dma_start3A = arith.constant 0 : i32
      %dma_start3A_31 = tpu.memref_slice %arg12[%dma_start3A] : memref<2000xi32, #tpu.memory_space<vmem>> -> memref<80xi32, #tpu.memory_space<vmem>>
      %dma_start3A_32 = arith.constant 0 : i32
      %dma_start3A_33 = arith.constant 0 : i32
      %dma_start3A_34 = tpu.memref_slice %arg2[%dma_start3A_32, %dma_start3A_33] : memref<20000x128xf32, #tpu.memory_space<hbm>> -> memref<20000x128xf32, #tpu.memory_space<hbm>>
      tpu.enqueue_indirect_dma source(%dma_start3A_34 : memref<20000x128xf32, #tpu.memory_space<hbm>>) target(%arg14 : memref<80x128xf32, #tpu.memory_space<vmem>>) offsets(%dma_start3A_31 : memref<80xi32, #tpu.memory_space<vmem>>) semaphore(%arg21 : memref<!tpu.dma_semaphore, #tpu.memory_space<semaphore_mem>>)
      %dma_start3A_35 = arith.constant 80 : i32
      %dma_start3A_36 = tpu.memref_slice %arg12[%dma_start3A_35] : memref<2000xi32, #tpu.memory_space<vmem>> -> memref<80xi32, #tpu.memory_space<vmem>>
      %dma_start3A_37 = arith.constant 0 : i32
      %dma_start3A_38 = arith.constant 0 : i32
      %dma_start3A_39 = tpu.memref_slice %arg2[%dma_start3A_37, %dma_start3A_38] : memref<20000x128xf32, #tpu.memory_space<hbm>> -> memref<20000x128xf32, #tpu.memory_space<hbm>>
      tpu.enqueue_indirect_dma source(%dma_start3A_39 : memref<20000x128xf32, #tpu.memory_space<hbm>>) target(%arg15 : memref<80x128xf32, #tpu.memory_space<vmem>>) offsets(%dma_start3A_36 : memref<80xi32, #tpu.memory_space<vmem>>) semaphore(%arg22 : memref<!tpu.dma_semaphore, #tpu.memory_space<semaphore_mem>>)
      %dma_start3A_40 = arith.constant 160 : i32
      %dma_start3A_41 = tpu.memref_slice %arg12[%dma_start3A_40] : memref<2000xi32, #tpu.memory_space<vmem>> -> memref<80xi32, #tpu.memory_space<vmem>>
      %dma_start3A_42 = arith.constant 0 : i32
      %dma_start3A_43 = arith.constant 0 : i32
      %dma_start3A_44 = tpu.memref_slice %arg2[%dma_start3A_42, %dma_start3A_43] : memref<20000x128xf32, #tpu.memory_space<hbm>> -> memref<20000x128xf32, #tpu.memory_space<hbm>>
      tpu.enqueue_indirect_dma source(%dma_start3A_44 : memref<20000x128xf32, #tpu.memory_space<hbm>>) target(%arg16 : memref<80x128xf32, #tpu.memory_space<vmem>>) offsets(%dma_start3A_41 : memref<80xi32, #tpu.memory_space<vmem>>) semaphore(%arg23 : memref<!tpu.dma_semaphore, #tpu.memory_space<semaphore_mem>>)
      %scan3A_45 = arith.constant 0 : i32
      %scan3A_46 = arith.constant 0 : i32
      %scan3A_47 = arith.constant 7 : i32
      %scan3A_48 = arith.addi %scan3A_46, %scan3A_47 : i32
      %scan3A_49 = arith.constant 1 : i32
      %scan3A_50 = scf.for %scan3A_295 = %scan3A_46 to %scan3A_48 step %scan3A_49 iter_args(%scan3A_296 = %scan3A_45) -> (i32)  : i32 {
        %mul3A_297 = arith.constant 3 : i32
        %mul3A_298 = arith.muli %mul3A_297, %scan3A_295 : i32
        %dma_wait3A_299 = arith.constant 0 : i32
        %dma_wait3A_300 = arith.constant 0 : i32
        %dma_wait3A_301 = tpu.memref_slice %arg2[%dma_wait3A_299, %dma_wait3A_300] : memref<20000x128xf32, #tpu.memory_space<hbm>> -> memref<80x128xf32, #tpu.memory_space<hbm>>
        %dma_wait3A_302 = arith.constant 0 : i32
        %dma_wait3A_303 = arith.constant 0 : i32
        %dma_wait3A_304 = tpu.memref_slice %arg2[%dma_wait3A_302, %dma_wait3A_303] : memref<20000x128xf32, #tpu.memory_space<hbm>> -> memref<80x128xf32, #tpu.memory_space<hbm>>
        tpu.wait_dma2 semaphore(%arg21 : memref<!tpu.dma_semaphore, #tpu.memory_space<semaphore_mem>>) src(%dma_wait3A_304 : memref<80x128xf32, #tpu.memory_space<hbm>>) dst(%arg14 : memref<80x128xf32, #tpu.memory_space<vmem>>)
        %mul3A_305 = arith.constant 80 : i32
        %mul3A_306 = arith.muli %mul3A_298, %mul3A_305 : i32
        %add3A_307 = arith.constant 0 : i32
        %add3A_308 = arith.addi %mul3A_306, %add3A_307 : i32
        %get3A_309 = arith.index_cast %add3A_308 : i32 to index
        %get3A_310 = tpu.vector_load %arg13[%get3A_309] {strides = array<i32>} : memref<2000xi32, #tpu.memory_space<vmem>>, vector<16xi32>,
        %get3A_311 = vector.shape_cast %get3A_310 : vector<16xi32> to vector<16xi32>
        %swap3A_312 = arith.constant 0 : index
        %swap3A_313 = tpu.vector_load %arg17[%swap3A_312] {strides = array<i32>} : memref<80xi32, #tpu.memory_space<vmem>>, vector<16xi32>,
        %swap3A_314 = vector.shape_cast %swap3A_313 : vector<16xi32> to vector<16xi32>
        %swap3A_315 = vector.shape_cast %get3A_311 : vector<16xi32> to vector<16xi32>
        tpu.vector_store %arg17[%swap3A_312], %swap3A_315 {strides = array<i32>} : memref<80xi32, #tpu.memory_space<vmem>>, vector<16xi32>,
        %mul3A_316 = arith.constant 80 : i32
        %mul3A_317 = arith.muli %mul3A_298, %mul3A_316 : i32
        %add3A_318 = arith.constant 16 : i32
        %add3A_319 = arith.addi %mul3A_317, %add3A_318 : i32
        %get3A_320 = arith.index_cast %add3A_319 : i32 to index
        %get3A_321 = tpu.vector_load %arg13[%get3A_320] {strides = array<i32>} : memref<2000xi32, #tpu.memory_space<vmem>>, vector<16xi32>,
        %get3A_322 = vector.shape_cast %get3A_321 : vector<16xi32> to vector<16xi32>
        %swap3A_323 = arith.constant 16 : index
        %swap3A_324 = tpu.vector_load %arg17[%swap3A_323] {strides = array<i32>} : memref<80xi32, #tpu.memory_space<vmem>>, vector<16xi32>,
        %swap3A_325 = vector.shape_cast %swap3A_324 : vector<16xi32> to vector<16xi32>
        %swap3A_326 = vector.shape_cast %get3A_322 : vector<16xi32> to vector<16xi32>
        tpu.vector_store %arg17[%swap3A_323], %swap3A_326 {strides = array<i32>} : memref<80xi32, #tpu.memory_space<vmem>>, vector<16xi32>,
        %mul3A_327 = arith.constant 80 : i32
        %mul3A_328 = arith.muli %mul3A_298, %mul3A_327 : i32
        %add3A_329 = arith.constant 32 : i32
        %add3A_330 = arith.addi %mul3A_328, %add3A_329 : i32
        %get3A_331 = arith.index_cast %add3A_330 : i32 to index
        %get3A_332 = tpu.vector_load %arg13[%get3A_331] {strides = array<i32>} : memref<2000xi32, #tpu.memory_space<vmem>>, vector<16xi32>,
        %get3A_333 = vector.shape_cast %get3A_332 : vector<16xi32> to vector<16xi32>
        %swap3A_334 = arith.constant 32 : index
        %swap3A_335 = tpu.vector_load %arg17[%swap3A_334] {strides = array<i32>} : memref<80xi32, #tpu.memory_space<vmem>>, vector<16xi32>,
        %swap3A_336 = vector.shape_cast %swap3A_335 : vector<16xi32> to vector<16xi32>
        %swap3A_337 = vector.shape_cast %get3A_333 : vector<16xi32> to vector<16xi32>
        tpu.vector_store %arg17[%swap3A_334], %swap3A_337 {strides = array<i32>} : memref<80xi32, #tpu.memory_space<vmem>>, vector<16xi32>,
        %mul3A_338 = arith.constant 80 : i32
        %mul3A_339 = arith.muli %mul3A_298, %mul3A_338 : i32
        %add3A_340 = arith.constant 48 : i32
        %add3A_341 = arith.addi %mul3A_339, %add3A_340 : i32
        %get3A_342 = arith.index_cast %add3A_341 : i32 to index
        %get3A_343 = tpu.vector_load %arg13[%get3A_342] {strides = array<i32>} : memref<2000xi32, #tpu.memory_space<vmem>>, vector<16xi32>,
        %get3A_344 = vector.shape_cast %get3A_343 : vector<16xi32> to vector<16xi32>
        %swap3A_345 = arith.constant 48 : index
        %swap3A_346 = tpu.vector_load %arg17[%swap3A_345] {strides = array<i32>} : memref<80xi32, #tpu.memory_space<vmem>>, vector<16xi32>,
        %swap3A_347 = vector.shape_cast %swap3A_346 : vector<16xi32> to vector<16xi32>
        %swap3A_348 = vector.shape_cast %get3A_344 : vector<16xi32> to vector<16xi32>
        tpu.vector_store %arg17[%swap3A_345], %swap3A_348 {strides = array<i32>} : memref<80xi32, #tpu.memory_space<vmem>>, vector<16xi32>,
        %mul3A_349 = arith.constant 80 : i32
        %mul3A_350 = arith.muli %mul3A_298, %mul3A_349 : i32
        %add3A_351 = arith.constant 64 : i32
        %add3A_352 = arith.addi %mul3A_350, %add3A_351 : i32
        %get3A_353 = arith.index_cast %add3A_352 : i32 to index
        %get3A_354 = tpu.vector_load %arg13[%get3A_353] {strides = array<i32>} : memref<2000xi32, #tpu.memory_space<vmem>>, vector<16xi32>,
        %get3A_355 = vector.shape_cast %get3A_354 : vector<16xi32> to vector<16xi32>
        %swap3A_356 = arith.constant 64 : index
        %swap3A_357 = tpu.vector_load %arg17[%swap3A_356] {strides = array<i32>} : memref<80xi32, #tpu.memory_space<vmem>>, vector<16xi32>,
        %swap3A_358 = vector.shape_cast %swap3A_357 : vector<16xi32> to vector<16xi32>
        %swap3A_359 = vector.shape_cast %get3A_355 : vector<16xi32> to vector<16xi32>
        tpu.vector_store %arg17[%swap3A_356], %swap3A_359 {strides = array<i32>} : memref<80xi32, #tpu.memory_space<vmem>>, vector<16xi32>,
        %dma_start3A_360 = arith.constant 0 : i32
        %dma_start3A_361 = arith.constant 0 : i32
        %dma_start3A_362 = tpu.memref_slice %arg10[%dma_start3A_360, %dma_start3A_361] : memref<10000x128xf32, #tpu.memory_space<vmem_shared>> -> memref<10000x128xf32, #tpu.memory_space<vmem_shared>>
        tpu.enqueue_indirect_dma source(%arg14 : memref<80x128xf32, #tpu.memory_space<vmem>>) target(%dma_start3A_362 : memref<10000x128xf32, #tpu.memory_space<vmem_shared>>) offsets(%arg17 : memref<80xi32, #tpu.memory_space<vmem>>) semaphore(%arg24 : memref<!tpu.dma_semaphore, #tpu.memory_space<semaphore_mem>>) {add = true}
        %eq3A_363 = arith.constant 0 : i32
        %eq3A_364 = arith.cmpi eq, %arg0, %eq3A_363 : i32
        %convert_element_type3A_365 = arith.extui %eq3A_364 : i1 to i32
        %cond3A_366 = arith.constant 0 : i32
        %cond3A_367 = arith.cmpi ne, %convert_element_type3A_365, %cond3A_366 : i32
        scf.if %cond3A_367 {
          %dma_start3A_568 = arith.constant 0 : i32
          %dma_start3A_569 = arith.constant 0 : i32
          %dma_start3A_570 = tpu.memref_slice %arg11[%dma_start3A_568, %dma_start3A_569] : memref<10000x16xf32, #tpu.memory_space<vmem_shared>> -> memref<10000x16xf32, #tpu.memory_space<vmem_shared>>
          tpu.enqueue_indirect_dma source(%arg20 : memref<80x16xf32, #tpu.memory_space<vmem>>) target(%dma_start3A_570 : memref<10000x16xf32, #tpu.memory_space<vmem_shared>>) offsets(%arg17 : memref<80xi32, #tpu.memory_space<vmem>>) semaphore(%arg27 : memref<!tpu.dma_semaphore, #tpu.memory_space<semaphore_mem>>) {add = true}
        } else {
        }
        %dma_wait3A_368 = arith.constant 0 : i32
        %dma_wait3A_369 = arith.constant 0 : i32
        %dma_wait3A_370 = tpu.memref_slice %arg10[%dma_wait3A_368, %dma_wait3A_369] : memref<10000x128xf32, #tpu.memory_space<vmem_shared>> -> memref<80x128xf32, #tpu.memory_space<vmem_shared>>
        %dma_wait3A_371 = arith.constant 0 : i32
        %dma_wait3A_372 = arith.constant 0 : i32
        %dma_wait3A_373 = tpu.memref_slice %arg10[%dma_wait3A_371, %dma_wait3A_372] : memref<10000x128xf32, #tpu.memory_space<vmem_shared>> -> memref<80x128xf32, #tpu.memory_space<vmem_shared>>
        tpu.wait_dma2 semaphore(%arg24 : memref<!tpu.dma_semaphore, #tpu.memory_space<semaphore_mem>>) src(%arg14 : memref<80x128xf32, #tpu.memory_space<vmem>>) dst(%dma_wait3A_373 : memref<80x128xf32, #tpu.memory_space<vmem_shared>>)
        %eq3A_374 = arith.constant 0 : i32
        %eq3A_375 = arith.cmpi eq, %arg0, %eq3A_374 : i32
        %convert_element_type3A_376 = arith.extui %eq3A_375 : i1 to i32
        %cond3A_377 = arith.constant 0 : i32
        %cond3A_378 = arith.cmpi ne, %convert_element_type3A_376, %cond3A_377 : i32
        scf.if %cond3A_378 {
          %dma_wait3A_568 = arith.constant 0 : i32
          %dma_wait3A_569 = arith.constant 0 : i32
          %dma_wait3A_570 = tpu.memref_slice %arg11[%dma_wait3A_568, %dma_wait3A_569] : memref<10000x16xf32, #tpu.memory_space<vmem_shared>> -> memref<80x16xf32, #tpu.memory_space<vmem_shared>>
          %dma_wait3A_571 = arith.constant 0 : i32
          %dma_wait3A_572 = arith.constant 0 : i32
          %dma_wait3A_573 = tpu.memref_slice %arg11[%dma_wait3A_571, %dma_wait3A_572] : memref<10000x16xf32, #tpu.memory_space<vmem_shared>> -> memref<80x16xf32, #tpu.memory_space<vmem_shared>>
          tpu.wait_dma2 semaphore(%arg27 : memref<!tpu.dma_semaphore, #tpu.memory_space<semaphore_mem>>) src(%arg20 : memref<80x16xf32, #tpu.memory_space<vmem>>) dst(%dma_wait3A_573 : memref<80x16xf32, #tpu.memory_space<vmem_shared>>)
        } else {
        }
        %add3A_379 = arith.constant 3 : i32
        %add3A_380 = arith.addi %mul3A_298, %add3A_379 : i32
        %mul3A_381 = arith.constant 80 : i32
        %mul3A_382 = arith.muli %add3A_380, %mul3A_381 : i32
        %dma_start3A_383 = tpu.memref_slice %arg12[%mul3A_382] : memref<2000xi32, #tpu.memory_space<vmem>> -> memref<80xi32, #tpu.memory_space<vmem>>
        %dma_start3A_384 = arith.constant 0 : i32
        %dma_start3A_385 = arith.constant 0 : i32
        %dma_start3A_386 = tpu.memref_slice %arg2[%dma_start3A_384, %dma_start3A_385] : memref<20000x128xf32, #tpu.memory_space<hbm>> -> memref<20000x128xf32, #tpu.memory_space<hbm>>
        tpu.enqueue_indirect_dma source(%dma_start3A_386 : memref<20000x128xf32, #tpu.memory_space<hbm>>) target(%arg14 : memref<80x128xf32, #tpu.memory_space<vmem>>) offsets(%dma_start3A_383 : memref<80xi32, #tpu.memory_space<vmem>>) semaphore(%arg21 : memref<!tpu.dma_semaphore, #tpu.memory_space<semaphore_mem>>)
        %add3A_387 = arith.constant 1 : i32
        %add3A_388 = arith.addi %mul3A_298, %add3A_387 : i32
        %dma_wait3A_389 = arith.constant 0 : i32
        %dma_wait3A_390 = arith.constant 0 : i32
        %dma_wait3A_391 = tpu.memref_slice %arg2[%dma_wait3A_389, %dma_wait3A_390] : memref<20000x128xf32, #tpu.memory_space<hbm>> -> memref<80x128xf32, #tpu.memory_space<hbm>>
        %dma_wait3A_392 = arith.constant 0 : i32
        %dma_wait3A_393 = arith.constant 0 : i32
        %dma_wait3A_394 = tpu.memref_slice %arg2[%dma_wait3A_392, %dma_wait3A_393] : memref<20000x128xf32, #tpu.memory_space<hbm>> -> memref<80x128xf32, #tpu.memory_space<hbm>>
        tpu.wait_dma2 semaphore(%arg22 : memref<!tpu.dma_semaphore, #tpu.memory_space<semaphore_mem>>) src(%dma_wait3A_394 : memref<80x128xf32, #tpu.memory_space<hbm>>) dst(%arg15 : memref<80x128xf32, #tpu.memory_space<vmem>>)
        %mul3A_395 = arith.constant 80 : i32
        %mul3A_396 = arith.muli %add3A_388, %mul3A_395 : i32
        %add3A_397 = arith.constant 0 : i32
        %add3A_398 = arith.addi %mul3A_396, %add3A_397 : i32
        %get3A_399 = arith.index_cast %add3A_398 : i32 to index
        %get3A_400 = tpu.vector_load %arg13[%get3A_399] {strides = array<i32>} : memref<2000xi32, #tpu.memory_space<vmem>>, vector<16xi32>,
        %get3A_401 = vector.shape_cast %get3A_400 : vector<16xi32> to vector<16xi32>
        %swap3A_402 = arith.constant 0 : index
        %swap3A_403 = tpu.vector_load %arg18[%swap3A_402] {strides = array<i32>} : memref<80xi32, #tpu.memory_space<vmem>>, vector<16xi32>,
        %swap3A_404 = vector.shape_cast %swap3A_403 : vector<16xi32> to vector<16xi32>
        %swap3A_405 = vector.shape_cast %get3A_401 : vector<16xi32> to vector<16xi32>
        tpu.vector_store %arg18[%swap3A_402], %swap3A_405 {strides = array<i32>} : memref<80xi32, #tpu.memory_space<vmem>>, vector<16xi32>,
        %mul3A_406 = arith.constant 80 : i32
        %mul3A_407 = arith.muli %add3A_388, %mul3A_406 : i32
        %add3A_408 = arith.constant 16 : i32
        %add3A_409 = arith.addi %mul3A_407, %add3A_408 : i32
        %get3A_410 = arith.index_cast %add3A_409 : i32 to index
        %get3A_411 = tpu.vector_load %arg13[%get3A_410] {strides = array<i32>} : memref<2000xi32, #tpu.memory_space<vmem>>, vector<16xi32>,
        %get3A_412 = vector.shape_cast %get3A_411 : vector<16xi32> to vector<16xi32>
        %swap3A_413 = arith.constant 16 : index
        %swap3A_414 = tpu.vector_load %arg18[%swap3A_413] {strides = array<i32>} : memref<80xi32, #tpu.memory_space<vmem>>, vector<16xi32>,
        %swap3A_415 = vector.shape_cast %swap3A_414 : vector<16xi32> to vector<16xi32>
        %swap3A_416 = vector.shape_cast %get3A_412 : vector<16xi32> to vector<16xi32>
        tpu.vector_store %arg18[%swap3A_413], %swap3A_416 {strides = array<i32>} : memref<80xi32, #tpu.memory_space<vmem>>, vector<16xi32>,
        %mul3A_417 = arith.constant 80 : i32
        %mul3A_418 = arith.muli %add3A_388, %mul3A_417 : i32
        %add3A_419 = arith.constant 32 : i32
        %add3A_420 = arith.addi %mul3A_418, %add3A_419 : i32
        %get3A_421 = arith.index_cast %add3A_420 : i32 to index
        %get3A_422 = tpu.vector_load %arg13[%get3A_421] {strides = array<i32>} : memref<2000xi32, #tpu.memory_space<vmem>>, vector<16xi32>,
        %get3A_423 = vector.shape_cast %get3A_422 : vector<16xi32> to vector<16xi32>
        %swap3A_424 = arith.constant 32 : index
        %swap3A_425 = tpu.vector_load %arg18[%swap3A_424] {strides = array<i32>} : memref<80xi32, #tpu.memory_space<vmem>>, vector<16xi32>,
        %swap3A_426 = vector.shape_cast %swap3A_425 : vector<16xi32> to vector<16xi32>
        %swap3A_427 = vector.shape_cast %get3A_423 : vector<16xi32> to vector<16xi32>
        tpu.vector_store %arg18[%swap3A_424], %swap3A_427 {strides = array<i32>} : memref<80xi32, #tpu.memory_space<vmem>>, vector<16xi32>,
        %mul3A_428 = arith.constant 80 : i32
        %mul3A_429 = arith.muli %add3A_388, %mul3A_428 : i32
        %add3A_430 = arith.constant 48 : i32
        %add3A_431 = arith.addi %mul3A_429, %add3A_430 : i32
        %get3A_432 = arith.index_cast %add3A_431 : i32 to index
        %get3A_433 = tpu.vector_load %arg13[%get3A_432] {strides = array<i32>} : memref<2000xi32, #tpu.memory_space<vmem>>, vector<16xi32>,
        %get3A_434 = vector.shape_cast %get3A_433 : vector<16xi32> to vector<16xi32>
        %swap3A_435 = arith.constant 48 : index
        %swap3A_436 = tpu.vector_load %arg18[%swap3A_435] {strides = array<i32>} : memref<80xi32, #tpu.memory_space<vmem>>, vector<16xi32>,
        %swap3A_437 = vector.shape_cast %swap3A_436 : vector<16xi32> to vector<16xi32>
        %swap3A_438 = vector.shape_cast %get3A_434 : vector<16xi32> to vector<16xi32>
        tpu.vector_store %arg18[%swap3A_435], %swap3A_438 {strides = array<i32>} : memref<80xi32, #tpu.memory_space<vmem>>, vector<16xi32>,
        %mul3A_439 = arith.constant 80 : i32
        %mul3A_440 = arith.muli %add3A_388, %mul3A_439 : i32
        %add3A_441 = arith.constant 64 : i32
        %add3A_442 = arith.addi %mul3A_440, %add3A_441 : i32
        %get3A_443 = arith.index_cast %add3A_442 : i32 to index
        %get3A_444 = tpu.vector_load %arg13[%get3A_443] {strides = array<i32>} : memref<2000xi32, #tpu.memory_space<vmem>>, vector<16xi32>,
        %get3A_445 = vector.shape_cast %get3A_444 : vector<16xi32> to vector<16xi32>
        %swap3A_446 = arith.constant 64 : index
        %swap3A_447 = tpu.vector_load %arg18[%swap3A_446] {strides = array<i32>} : memref<80xi32, #tpu.memory_space<vmem>>, vector<16xi32>,
        %swap3A_448 = vector.shape_cast %swap3A_447 : vector<16xi32> to vector<16xi32>
        %swap3A_449 = vector.shape_cast %get3A_445 : vector<16xi32> to vector<16xi32>
        tpu.vector_store %arg18[%swap3A_446], %swap3A_449 {strides = array<i32>} : memref<80xi32, #tpu.memory_space<vmem>>, vector<16xi32>,
        %dma_start3A_450 = arith.constant 0 : i32
        %dma_start3A_451 = arith.constant 0 : i32
        %dma_start3A_452 = tpu.memref_slice %arg10[%dma_start3A_450, %dma_start3A_451] : memref<10000x128xf32, #tpu.memory_space<vmem_shared>> -> memref<10000x128xf32, #tpu.memory_space<vmem_shared>>
        tpu.enqueue_indirect_dma source(%arg15 : memref<80x128xf32, #tpu.memory_space<vmem>>) target(%dma_start3A_452 : memref<10000x128xf32, #tpu.memory_space<vmem_shared>>) offsets(%arg18 : memref<80xi32, #tpu.memory_space<vmem>>) semaphore(%arg25 : memref<!tpu.dma_semaphore, #tpu.memory_space<semaphore_mem>>) {add = true}
        %eq3A_453 = arith.constant 0 : i32
        %eq3A_454 = arith.cmpi eq, %arg0, %eq3A_453 : i32
        %convert_element_type3A_455 = arith.extui %eq3A_454 : i1 to i32
        %cond3A_456 = arith.constant 0 : i32
        %cond3A_457 = arith.cmpi ne, %convert_element_type3A_455, %cond3A_456 : i32
        scf.if %cond3A_457 {
          %dma_start3A_568 = arith.constant 0 : i32
          %dma_start3A_569 = arith.constant 0 : i32
          %dma_start3A_570 = tpu.memref_slice %arg11[%dma_start3A_568, %dma_start3A_569] : memref<10000x16xf32, #tpu.memory_space<vmem_shared>> -> memref<10000x16xf32, #tpu.memory_space<vmem_shared>>
          tpu.enqueue_indirect_dma source(%arg20 : memref<80x16xf32, #tpu.memory_space<vmem>>) target(%dma_start3A_570 : memref<10000x16xf32, #tpu.memory_space<vmem_shared>>) offsets(%arg18 : memref<80xi32, #tpu.memory_space<vmem>>) semaphore(%arg28 : memref<!tpu.dma_semaphore, #tpu.memory_space<semaphore_mem>>) {add = true}
        } else {
        }
        %dma_wait3A_458 = arith.constant 0 : i32
        %dma_wait3A_459 = arith.constant 0 : i32
        %dma_wait3A_460 = tpu.memref_slice %arg10[%dma_wait3A_458, %dma_wait3A_459] : memref<10000x128xf32, #tpu.memory_space<vmem_shared>> -> memref<80x128xf32, #tpu.memory_space<vmem_shared>>
        %dma_wait3A_461 = arith.constant 0 : i32
        %dma_wait3A_462 = arith.constant 0 : i32
        %dma_wait3A_463 = tpu.memref_slice %arg10[%dma_wait3A_461, %dma_wait3A_462] : memref<10000x128xf32, #tpu.memory_space<vmem_shared>> -> memref<80x128xf32, #tpu.memory_space<vmem_shared>>
        tpu.wait_dma2 semaphore(%arg25 : memref<!tpu.dma_semaphore, #tpu.memory_space<semaphore_mem>>) src(%arg15 : memref<80x128xf32, #tpu.memory_space<vmem>>) dst(%dma_wait3A_463 : memref<80x128xf32, #tpu.memory_space<vmem_shared>>)
        %eq3A_464 = arith.constant 0 : i32
        %eq3A_465 = arith.cmpi eq, %arg0, %eq3A_464 : i32
        %convert_element_type3A_466 = arith.extui %eq3A_465 : i1 to i32
        %cond3A_467 = arith.constant 0 : i32
        %cond3A_468 = arith.cmpi ne, %convert_element_type3A_466, %cond3A_467 : i32
        scf.if %cond3A_468 {
          %dma_wait3A_568 = arith.constant 0 : i32
          %dma_wait3A_569 = arith.constant 0 : i32
          %dma_wait3A_570 = tpu.memref_slice %arg11[%dma_wait3A_568, %dma_wait3A_569] : memref<10000x16xf32, #tpu.memory_space<vmem_shared>> -> memref<80x16xf32, #tpu.memory_space<vmem_shared>>
          %dma_wait3A_571 = arith.constant 0 : i32
          %dma_wait3A_572 = arith.constant 0 : i32
          %dma_wait3A_573 = tpu.memref_slice %arg11[%dma_wait3A_571, %dma_wait3A_572] : memref<10000x16xf32, #tpu.memory_space<vmem_shared>> -> memref<80x16xf32, #tpu.memory_space<vmem_shared>>
          tpu.wait_dma2 semaphore(%arg28 : memref<!tpu.dma_semaphore, #tpu.memory_space<semaphore_mem>>) src(%arg20 : memref<80x16xf32, #tpu.memory_space<vmem>>) dst(%dma_wait3A_573 : memref<80x16xf32, #tpu.memory_space<vmem_shared>>)
        } else {
        }
        %add3A_469 = arith.constant 3 : i32
        %add3A_470 = arith.addi %add3A_388, %add3A_469 : i32
        %mul3A_471 = arith.constant 80 : i32
        %mul3A_472 = arith.muli %add3A_470, %mul3A_471 : i32
        %dma_start3A_473 = tpu.memref_slice %arg12[%mul3A_472] : memref<2000xi32, #tpu.memory_space<vmem>> -> memref<80xi32, #tpu.memory_space<vmem>>
        %dma_start3A_474 = arith.constant 0 : i32
        %dma_start3A_475 = arith.constant 0 : i32
        %dma_start3A_476 = tpu.memref_slice %arg2[%dma_start3A_474, %dma_start3A_475] : memref<20000x128xf32, #tpu.memory_space<hbm>> -> memref<20000x128xf32, #tpu.memory_space<hbm>>
        tpu.enqueue_indirect_dma source(%dma_start3A_476 : memref<20000x128xf32, #tpu.memory_space<hbm>>) target(%arg15 : memref<80x128xf32, #tpu.memory_space<vmem>>) offsets(%dma_start3A_473 : memref<80xi32, #tpu.memory_space<vmem>>) semaphore(%arg22 : memref<!tpu.dma_semaphore, #tpu.memory_space<semaphore_mem>>)
        %add3A_477 = arith.constant 2 : i32
        %add3A_478 = arith.addi %mul3A_298, %add3A_477 : i32
        %dma_wait3A_479 = arith.constant 0 : i32
        %dma_wait3A_480 = arith.constant 0 : i32
        %dma_wait3A_481 = tpu.memref_slice %arg2[%dma_wait3A_479, %dma_wait3A_480] : memref<20000x128xf32, #tpu.memory_space<hbm>> -> memref<80x128xf32, #tpu.memory_space<hbm>>
        %dma_wait3A_482 = arith.constant 0 : i32
        %dma_wait3A_483 = arith.constant 0 : i32
        %dma_wait3A_484 = tpu.memref_slice %arg2[%dma_wait3A_482, %dma_wait3A_483] : memref<20000x128xf32, #tpu.memory_space<hbm>> -> memref<80x128xf32, #tpu.memory_space<hbm>>
        tpu.wait_dma2 semaphore(%arg23 : memref<!tpu.dma_semaphore, #tpu.memory_space<semaphore_mem>>) src(%dma_wait3A_484 : memref<80x128xf32, #tpu.memory_space<hbm>>) dst(%arg16 : memref<80x128xf32, #tpu.memory_space<vmem>>)
        %mul3A_485 = arith.constant 80 : i32
        %mul3A_486 = arith.muli %add3A_478, %mul3A_485 : i32
        %add3A_487 = arith.constant 0 : i32
        %add3A_488 = arith.addi %mul3A_486, %add3A_487 : i32
        %get3A_489 = arith.index_cast %add3A_488 : i32 to index
        %get3A_490 = tpu.vector_load %arg13[%get3A_489] {strides = array<i32>} : memref<2000xi32, #tpu.memory_space<vmem>>, vector<16xi32>,
        %get3A_491 = vector.shape_cast %get3A_490 : vector<16xi32> to vector<16xi32>
        %swap3A_492 = arith.constant 0 : index
        %swap3A_493 = tpu.vector_load %arg19[%swap3A_492] {strides = array<i32>} : memref<80xi32, #tpu.memory_space<vmem>>, vector<16xi32>,
        %swap3A_494 = vector.shape_cast %swap3A_493 : vector<16xi32> to vector<16xi32>
        %swap3A_495 = vector.shape_cast %get3A_491 : vector<16xi32> to vector<16xi32>
        tpu.vector_store %arg19[%swap3A_492], %swap3A_495 {strides = array<i32>} : memref<80xi32, #tpu.memory_space<vmem>>, vector<16xi32>,
        %mul3A_496 = arith.constant 80 : i32
        %mul3A_497 = arith.muli %add3A_478, %mul3A_496 : i32
        %add3A_498 = arith.constant 16 : i32
        %add3A_499 = arith.addi %mul3A_497, %add3A_498 : i32
        %get3A_500 = arith.index_cast %add3A_499 : i32 to index
        %get3A_501 = tpu.vector_load %arg13[%get3A_500] {strides = array<i32>} : memref<2000xi32, #tpu.memory_space<vmem>>, vector<16xi32>,
        %get3A_502 = vector.shape_cast %get3A_501 : vector<16xi32> to vector<16xi32>
        %swap3A_503 = arith.constant 16 : index
        %swap3A_504 = tpu.vector_load %arg19[%swap3A_503] {strides = array<i32>} : memref<80xi32, #tpu.memory_space<vmem>>, vector<16xi32>,
        %swap3A_505 = vector.shape_cast %swap3A_504 : vector<16xi32> to vector<16xi32>
        %swap3A_506 = vector.shape_cast %get3A_502 : vector<16xi32> to vector<16xi32>
        tpu.vector_store %arg19[%swap3A_503], %swap3A_506 {strides = array<i32>} : memref<80xi32, #tpu.memory_space<vmem>>, vector<16xi32>,
        %mul3A_507 = arith.constant 80 : i32
        %mul3A_508 = arith.muli %add3A_478, %mul3A_507 : i32
        %add3A_509 = arith.constant 32 : i32
        %add3A_510 = arith.addi %mul3A_508, %add3A_509 : i32
        %get3A_511 = arith.index_cast %add3A_510 : i32 to index
        %get3A_512 = tpu.vector_load %arg13[%get3A_511] {strides = array<i32>} : memref<2000xi32, #tpu.memory_space<vmem>>, vector<16xi32>,
        %get3A_513 = vector.shape_cast %get3A_512 : vector<16xi32> to vector<16xi32>
        %swap3A_514 = arith.constant 32 : index
        %swap3A_515 = tpu.vector_load %arg19[%swap3A_514] {strides = array<i32>} : memref<80xi32, #tpu.memory_space<vmem>>, vector<16xi32>,
        %swap3A_516 = vector.shape_cast %swap3A_515 : vector<16xi32> to vector<16xi32>
        %swap3A_517 = vector.shape_cast %get3A_513 : vector<16xi32> to vector<16xi32>
        tpu.vector_store %arg19[%swap3A_514], %swap3A_517 {strides = array<i32>} : memref<80xi32, #tpu.memory_space<vmem>>, vector<16xi32>,
        %mul3A_518 = arith.constant 80 : i32
        %mul3A_519 = arith.muli %add3A_478, %mul3A_518 : i32
        %add3A_520 = arith.constant 48 : i32
        %add3A_521 = arith.addi %mul3A_519, %add3A_520 : i32
        %get3A_522 = arith.index_cast %add3A_521 : i32 to index
        %get3A_523 = tpu.vector_load %arg13[%get3A_522] {strides = array<i32>} : memref<2000xi32, #tpu.memory_space<vmem>>, vector<16xi32>,
        %get3A_524 = vector.shape_cast %get3A_523 : vector<16xi32> to vector<16xi32>
        %swap3A_525 = arith.constant 48 : index
        %swap3A_526 = tpu.vector_load %arg19[%swap3A_525] {strides = array<i32>} : memref<80xi32, #tpu.memory_space<vmem>>, vector<16xi32>,
        %swap3A_527 = vector.shape_cast %swap3A_526 : vector<16xi32> to vector<16xi32>
        %swap3A_528 = vector.shape_cast %get3A_524 : vector<16xi32> to vector<16xi32>
        tpu.vector_store %arg19[%swap3A_525], %swap3A_528 {strides = array<i32>} : memref<80xi32, #tpu.memory_space<vmem>>, vector<16xi32>,
        %mul3A_529 = arith.constant 80 : i32
        %mul3A_530 = arith.muli %add3A_478, %mul3A_529 : i32
        %add3A_531 = arith.constant 64 : i32
        %add3A_532 = arith.addi %mul3A_530, %add3A_531 : i32
        %get3A_533 = arith.index_cast %add3A_532 : i32 to index
        %get3A_534 = tpu.vector_load %arg13[%get3A_533] {strides = array<i32>} : memref<2000xi32, #tpu.memory_space<vmem>>, vector<16xi32>,
        %get3A_535 = vector.shape_cast %get3A_534 : vector<16xi32> to vector<16xi32>
        %swap3A_536 = arith.constant 64 : index
        %swap3A_537 = tpu.vector_load %arg19[%swap3A_536] {strides = array<i32>} : memref<80xi32, #tpu.memory_space<vmem>>, vector<16xi32>,
        %swap3A_538 = vector.shape_cast %swap3A_537 : vector<16xi32> to vector<16xi32>
        %swap3A_539 = vector.shape_cast %get3A_535 : vector<16xi32> to vector<16xi32>
        tpu.vector_store %arg19[%swap3A_536], %swap3A_539 {strides = array<i32>} : memref<80xi32, #tpu.memory_space<vmem>>, vector<16xi32>,
        %dma_start3A_540 = arith.constant 0 : i32
        %dma_start3A_541 = arith.constant 0 : i32
        %dma_start3A_542 = tpu.memref_slice %arg10[%dma_start3A_540, %dma_start3A_541] : memref<10000x128xf32, #tpu.memory_space<vmem_shared>> -> memref<10000x128xf32, #tpu.memory_space<vmem_shared>>
        tpu.enqueue_indirect_dma source(%arg16 : memref<80x128xf32, #tpu.memory_space<vmem>>) target(%dma_start3A_542 : memref<10000x128xf32, #tpu.memory_space<vmem_shared>>) offsets(%arg19 : memref<80xi32, #tpu.memory_space<vmem>>) semaphore(%arg26 : memref<!tpu.dma_semaphore, #tpu.memory_space<semaphore_mem>>) {add = true}
        %eq3A_543 = arith.constant 0 : i32
        %eq3A_544 = arith.cmpi eq, %arg0, %eq3A_543 : i32
        %convert_element_type3A_545 = arith.extui %eq3A_544 : i1 to i32
        %cond3A_546 = arith.constant 0 : i32
        %cond3A_547 = arith.cmpi ne, %convert_element_type3A_545, %cond3A_546 : i32
        scf.if %cond3A_547 {
          %dma_start3A_568 = arith.constant 0 : i32
          %dma_start3A_569 = arith.constant 0 : i32
          %dma_start3A_570 = tpu.memref_slice %arg11[%dma_start3A_568, %dma_start3A_569] : memref<10000x16xf32, #tpu.memory_space<vmem_shared>> -> memref<10000x16xf32, #tpu.memory_space<vmem_shared>>
          tpu.enqueue_indirect_dma source(%arg20 : memref<80x16xf32, #tpu.memory_space<vmem>>) target(%dma_start3A_570 : memref<10000x16xf32, #tpu.memory_space<vmem_shared>>) offsets(%arg19 : memref<80xi32, #tpu.memory_space<vmem>>) semaphore(%arg29 : memref<!tpu.dma_semaphore, #tpu.memory_space<semaphore_mem>>) {add = true}
        } else {
        }
        %dma_wait3A_548 = arith.constant 0 : i32
        %dma_wait3A_549 = arith.constant 0 : i32
        %dma_wait3A_550 = tpu.memref_slice %arg10[%dma_wait3A_548, %dma_wait3A_549] : memref<10000x128xf32, #tpu.memory_space<vmem_shared>> -> memref<80x128xf32, #tpu.memory_space<vmem_shared>>
        %dma_wait3A_551 = arith.constant 0 : i32
        %dma_wait3A_552 = arith.constant 0 : i32
        %dma_wait3A_553 = tpu.memref_slice %arg10[%dma_wait3A_551, %dma_wait3A_552] : memref<10000x128xf32, #tpu.memory_space<vmem_shared>> -> memref<80x128xf32, #tpu.memory_space<vmem_shared>>
        tpu.wait_dma2 semaphore(%arg26 : memref<!tpu.dma_semaphore, #tpu.memory_space<semaphore_mem>>) src(%arg16 : memref<80x128xf32, #tpu.memory_space<vmem>>) dst(%dma_wait3A_553 : memref<80x128xf32, #tpu.memory_space<vmem_shared>>)
        %eq3A_554 = arith.constant 0 : i32
        %eq3A_555 = arith.cmpi eq, %arg0, %eq3A_554 : i32
        %convert_element_type3A_556 = arith.extui %eq3A_555 : i1 to i32
        %cond3A_557 = arith.constant 0 : i32
        %cond3A_558 = arith.cmpi ne, %convert_element_type3A_556, %cond3A_557 : i32
        scf.if %cond3A_558 {
          %dma_wait3A_568 = arith.constant 0 : i32
          %dma_wait3A_569 = arith.constant 0 : i32
          %dma_wait3A_570 = tpu.memref_slice %arg11[%dma_wait3A_568, %dma_wait3A_569] : memref<10000x16xf32, #tpu.memory_space<vmem_shared>> -> memref<80x16xf32, #tpu.memory_space<vmem_shared>>
          %dma_wait3A_571 = arith.constant 0 : i32
          %dma_wait3A_572 = arith.constant 0 : i32
          %dma_wait3A_573 = tpu.memref_slice %arg11[%dma_wait3A_571, %dma_wait3A_572] : memref<10000x16xf32, #tpu.memory_space<vmem_shared>> -> memref<80x16xf32, #tpu.memory_space<vmem_shared>>
          tpu.wait_dma2 semaphore(%arg29 : memref<!tpu.dma_semaphore, #tpu.memory_space<semaphore_mem>>) src(%arg20 : memref<80x16xf32, #tpu.memory_space<vmem>>) dst(%dma_wait3A_573 : memref<80x16xf32, #tpu.memory_space<vmem_shared>>)
        } else {
        }
        %add3A_559 = arith.constant 3 : i32
        %add3A_560 = arith.addi %add3A_478, %add3A_559 : i32
        %mul3A_561 = arith.constant 80 : i32
        %mul3A_562 = arith.muli %add3A_560, %mul3A_561 : i32
        %dma_start3A_563 = tpu.memref_slice %arg12[%mul3A_562] : memref<2000xi32, #tpu.memory_space<vmem>> -> memref<80xi32, #tpu.memory_space<vmem>>
        %dma_start3A_564 = arith.constant 0 : i32
        %dma_start3A_565 = arith.constant 0 : i32
        %dma_start3A_566 = tpu.memref_slice %arg2[%dma_start3A_564, %dma_start3A_565] : memref<20000x128xf32, #tpu.memory_space<hbm>> -> memref<20000x128xf32, #tpu.memory_space<hbm>>
        tpu.enqueue_indirect_dma source(%dma_start3A_566 : memref<20000x128xf32, #tpu.memory_space<hbm>>) target(%arg16 : memref<80x128xf32, #tpu.memory_space<vmem>>) offsets(%dma_start3A_563 : memref<80xi32, #tpu.memory_space<vmem>>) semaphore(%arg23 : memref<!tpu.dma_semaphore, #tpu.memory_space<semaphore_mem>>)
        %scan3A_567 = arith.constant 0 : i32
        scf.yield %scan3A_567 : i32
      }
      %scan3A_51 = arith.constant 7 : i32
      %dma_wait3A = arith.constant 0 : i32
      %dma_wait3A_52 = arith.constant 0 : i32
      %dma_wait3A_53 = tpu.memref_slice %arg2[%dma_wait3A, %dma_wait3A_52] : memref<20000x128xf32, #tpu.memory_space<hbm>> -> memref<80x128xf32, #tpu.memory_space<hbm>>
      %dma_wait3A_54 = arith.constant 0 : i32
      %dma_wait3A_55 = arith.constant 0 : i32
      %dma_wait3A_56 = tpu.memref_slice %arg2[%dma_wait3A_54, %dma_wait3A_55] : memref<20000x128xf32, #tpu.memory_space<hbm>> -> memref<80x128xf32, #tpu.memory_space<hbm>>
      tpu.wait_dma2 semaphore(%arg21 : memref<!tpu.dma_semaphore, #tpu.memory_space<semaphore_mem>>) src(%dma_wait3A_56 : memref<80x128xf32, #tpu.memory_space<hbm>>) dst(%arg14 : memref<80x128xf32, #tpu.memory_space<vmem>>)
      %get3A = arith.constant 1680 : index
      %get3A_57 = tpu.vector_load %arg13[%get3A] {strides = array<i32>} : memref<2000xi32, #tpu.memory_space<vmem>>, vector<16xi32>,
      %get3A_58 = vector.shape_cast %get3A_57 : vector<16xi32> to vector<16xi32>
      %swap3A = arith.constant 0 : index
      %swap3A_59 = tpu.vector_load %arg17[%swap3A] {strides = array<i32>} : memref<80xi32, #tpu.memory_space<vmem>>, vector<16xi32>,
      %swap3A_60 = vector.shape_cast %swap3A_59 : vector<16xi32> to vector<16xi32>
      %swap3A_61 = vector.shape_cast %get3A_58 : vector<16xi32> to vector<16xi32>
      tpu.vector_store %arg17[%swap3A], %swap3A_61 {strides = array<i32>} : memref<80xi32, #tpu.memory_space<vmem>>, vector<16xi32>,
      %get3A_62 = arith.constant 1696 : index
      %get3A_63 = tpu.vector_load %arg13[%get3A_62] {strides = array<i32>} : memref<2000xi32, #tpu.memory_space<vmem>>, vector<16xi32>,
      %get3A_64 = vector.shape_cast %get3A_63 : vector<16xi32> to vector<16xi32>
      %swap3A_65 = arith.constant 16 : index
      %swap3A_66 = tpu.vector_load %arg17[%swap3A_65] {strides = array<i32>} : memref<80xi32, #tpu.memory_space<vmem>>, vector<16xi32>,
      %swap3A_67 = vector.shape_cast %swap3A_66 : vector<16xi32> to vector<16xi32>
      %swap3A_68 = vector.shape_cast %get3A_64 : vector<16xi32> to vector<16xi32>
      tpu.vector_store %arg17[%swap3A_65], %swap3A_68 {strides = array<i32>} : memref<80xi32, #tpu.memory_space<vmem>>, vector<16xi32>,
      %get3A_69 = arith.constant 1712 : index
      %get3A_70 = tpu.vector_load %arg13[%get3A_69] {strides = array<i32>} : memref<2000xi32, #tpu.memory_space<vmem>>, vector<16xi32>,
      %get3A_71 = vector.shape_cast %get3A_70 : vector<16xi32> to vector<16xi32>
      %swap3A_72 = arith.constant 32 : index
      %swap3A_73 = tpu.vector_load %arg17[%swap3A_72] {strides = array<i32>} : memref<80xi32, #tpu.memory_space<vmem>>, vector<16xi32>,
      %swap3A_74 = vector.shape_cast %swap3A_73 : vector<16xi32> to vector<16xi32>
      %swap3A_75 = vector.shape_cast %get3A_71 : vector<16xi32> to vector<16xi32>
      tpu.vector_store %arg17[%swap3A_72], %swap3A_75 {strides = array<i32>} : memref<80xi32, #tpu.memory_space<vmem>>, vector<16xi32>,
      %get3A_76 = arith.constant 1728 : index
      %get3A_77 = tpu.vector_load %arg13[%get3A_76] {strides = array<i32>} : memref<2000xi32, #tpu.memory_space<vmem>>, vector<16xi32>,
      %get3A_78 = vector.shape_cast %get3A_77 : vector<16xi32> to vector<16xi32>
      %swap3A_79 = arith.constant 48 : index
      %swap3A_80 = tpu.vector_load %arg17[%swap3A_79] {strides = array<i32>} : memref<80xi32, #tpu.memory_space<vmem>>, vector<16xi32>,
      %swap3A_81 = vector.shape_cast %swap3A_80 : vector<16xi32> to vector<16xi32>
      %swap3A_82 = vector.shape_cast %get3A_78 : vector<16xi32> to vector<16xi32>
      tpu.vector_store %arg17[%swap3A_79], %swap3A_82 {strides = array<i32>} : memref<80xi32, #tpu.memory_space<vmem>>, vector<16xi32>,
      %get3A_83 = arith.constant 1744 : index
      %get3A_84 = tpu.vector_load %arg13[%get3A_83] {strides = array<i32>} : memref<2000xi32, #tpu.memory_space<vmem>>, vector<16xi32>,
      %get3A_85 = vector.shape_cast %get3A_84 : vector<16xi32> to vector<16xi32>
      %swap3A_86 = arith.constant 64 : index
      %swap3A_87 = tpu.vector_load %arg17[%swap3A_86] {strides = array<i32>} : memref<80xi32, #tpu.memory_space<vmem>>, vector<16xi32>,
      %swap3A_88 = vector.shape_cast %swap3A_87 : vector<16xi32> to vector<16xi32>
      %swap3A_89 = vector.shape_cast %get3A_85 : vector<16xi32> to vector<16xi32>
      tpu.vector_store %arg17[%swap3A_86], %swap3A_89 {strides = array<i32>} : memref<80xi32, #tpu.memory_space<vmem>>, vector<16xi32>,
      %dma_start3A_90 = arith.constant 0 : i32
      %dma_start3A_91 = arith.constant 0 : i32
      %dma_start3A_92 = tpu.memref_slice %arg10[%dma_start3A_90, %dma_start3A_91] : memref<10000x128xf32, #tpu.memory_space<vmem_shared>> -> memref<10000x128xf32, #tpu.memory_space<vmem_shared>>
      tpu.enqueue_indirect_dma source(%arg14 : memref<80x128xf32, #tpu.memory_space<vmem>>) target(%dma_start3A_92 : memref<10000x128xf32, #tpu.memory_space<vmem_shared>>) offsets(%arg17 : memref<80xi32, #tpu.memory_space<vmem>>) semaphore(%arg24 : memref<!tpu.dma_semaphore, #tpu.memory_space<semaphore_mem>>) {add = true}
      %eq3A_93 = arith.constant 0 : i32
      %eq3A_94 = arith.cmpi eq, %arg0, %eq3A_93 : i32
      %convert_element_type3A_95 = arith.extui %eq3A_94 : i1 to i32
      %cond3A_96 = arith.constant 0 : i32
      %cond3A_97 = arith.cmpi ne, %convert_element_type3A_95, %cond3A_96 : i32
      scf.if %cond3A_97 {
        %dma_start3A_295 = arith.constant 0 : i32
        %dma_start3A_296 = arith.constant 0 : i32
        %dma_start3A_297 = tpu.memref_slice %arg11[%dma_start3A_295, %dma_start3A_296] : memref<10000x16xf32, #tpu.memory_space<vmem_shared>> -> memref<10000x16xf32, #tpu.memory_space<vmem_shared>>
        tpu.enqueue_indirect_dma source(%arg20 : memref<80x16xf32, #tpu.memory_space<vmem>>) target(%dma_start3A_297 : memref<10000x16xf32, #tpu.memory_space<vmem_shared>>) offsets(%arg17 : memref<80xi32, #tpu.memory_space<vmem>>) semaphore(%arg27 : memref<!tpu.dma_semaphore, #tpu.memory_space<semaphore_mem>>) {add = true}
      } else {
      }
      %dma_wait3A_98 = arith.constant 0 : i32
      %dma_wait3A_99 = arith.constant 0 : i32
      %dma_wait3A_100 = tpu.memref_slice %arg10[%dma_wait3A_98, %dma_wait3A_99] : memref<10000x128xf32, #tpu.memory_space<vmem_shared>> -> memref<80x128xf32, #tpu.memory_space<vmem_shared>>
      %dma_wait3A_101 = arith.constant 0 : i32
      %dma_wait3A_102 = arith.constant 0 : i32
      %dma_wait3A_103 = tpu.memref_slice %arg10[%dma_wait3A_101, %dma_wait3A_102] : memref<10000x128xf32, #tpu.memory_space<vmem_shared>> -> memref<80x128xf32, #tpu.memory_space<vmem_shared>>
      tpu.wait_dma2 semaphore(%arg24 : memref<!tpu.dma_semaphore, #tpu.memory_space<semaphore_mem>>) src(%arg14 : memref<80x128xf32, #tpu.memory_space<vmem>>) dst(%dma_wait3A_103 : memref<80x128xf32, #tpu.memory_space<vmem_shared>>)
      %eq3A_104 = arith.constant 0 : i32
      %eq3A_105 = arith.cmpi eq, %arg0, %eq3A_104 : i32
      %convert_element_type3A_106 = arith.extui %eq3A_105 : i1 to i32
      %cond3A_107 = arith.constant 0 : i32
      %cond3A_108 = arith.cmpi ne, %convert_element_type3A_106, %cond3A_107 : i32
      scf.if %cond3A_108 {
        %dma_wait3A_295 = arith.constant 0 : i32
        %dma_wait3A_296 = arith.constant 0 : i32
        %dma_wait3A_297 = tpu.memref_slice %arg11[%dma_wait3A_295, %dma_wait3A_296] : memref<10000x16xf32, #tpu.memory_space<vmem_shared>> -> memref<80x16xf32, #tpu.memory_space<vmem_shared>>
        %dma_wait3A_298 = arith.constant 0 : i32
        %dma_wait3A_299 = arith.constant 0 : i32
        %dma_wait3A_300 = tpu.memref_slice %arg11[%dma_wait3A_298, %dma_wait3A_299] : memref<10000x16xf32, #tpu.memory_space<vmem_shared>> -> memref<80x16xf32, #tpu.memory_space<vmem_shared>>
        tpu.wait_dma2 semaphore(%arg27 : memref<!tpu.dma_semaphore, #tpu.memory_space<semaphore_mem>>) src(%arg20 : memref<80x16xf32, #tpu.memory_space<vmem>>) dst(%dma_wait3A_300 : memref<80x16xf32, #tpu.memory_space<vmem_shared>>)
      } else {
      }
      %dma_start3A_109 = arith.constant 1920 : i32
      %dma_start3A_110 = tpu.memref_slice %arg12[%dma_start3A_109] : memref<2000xi32, #tpu.memory_space<vmem>> -> memref<80xi32, #tpu.memory_space<vmem>>
      %dma_start3A_111 = arith.constant 0 : i32
      %dma_start3A_112 = arith.constant 0 : i32
      %dma_start3A_113 = tpu.memref_slice %arg2[%dma_start3A_111, %dma_start3A_112] : memref<20000x128xf32, #tpu.memory_space<hbm>> -> memref<20000x128xf32, #tpu.memory_space<hbm>>
      tpu.enqueue_indirect_dma source(%dma_start3A_113 : memref<20000x128xf32, #tpu.memory_space<hbm>>) target(%arg14 : memref<80x128xf32, #tpu.memory_space<vmem>>) offsets(%dma_start3A_110 : memref<80xi32, #tpu.memory_space<vmem>>) semaphore(%arg21 : memref<!tpu.dma_semaphore, #tpu.memory_space<semaphore_mem>>)
      %dma_wait3A_114 = arith.constant 0 : i32
      %dma_wait3A_115 = arith.constant 0 : i32
      %dma_wait3A_116 = tpu.memref_slice %arg2[%dma_wait3A_114, %dma_wait3A_115] : memref<20000x128xf32, #tpu.memory_space<hbm>> -> memref<80x128xf32, #tpu.memory_space<hbm>>
      %dma_wait3A_117 = arith.constant 0 : i32
      %dma_wait3A_118 = arith.constant 0 : i32
      %dma_wait3A_119 = tpu.memref_slice %arg2[%dma_wait3A_117, %dma_wait3A_118] : memref<20000x128xf32, #tpu.memory_space<hbm>> -> memref<80x128xf32, #tpu.memory_space<hbm>>
      tpu.wait_dma2 semaphore(%arg22 : memref<!tpu.dma_semaphore, #tpu.memory_space<semaphore_mem>>) src(%dma_wait3A_119 : memref<80x128xf32, #tpu.memory_space<hbm>>) dst(%arg15 : memref<80x128xf32, #tpu.memory_space<vmem>>)
      %get3A_120 = arith.constant 1760 : index
      %get3A_121 = tpu.vector_load %arg13[%get3A_120] {strides = array<i32>} : memref<2000xi32, #tpu.memory_space<vmem>>, vector<16xi32>,
      %get3A_122 = vector.shape_cast %get3A_121 : vector<16xi32> to vector<16xi32>
      %swap3A_123 = arith.constant 0 : index
      %swap3A_124 = tpu.vector_load %arg18[%swap3A_123] {strides = array<i32>} : memref<80xi32, #tpu.memory_space<vmem>>, vector<16xi32>,
      %swap3A_125 = vector.shape_cast %swap3A_124 : vector<16xi32> to vector<16xi32>
      %swap3A_126 = vector.shape_cast %get3A_122 : vector<16xi32> to vector<16xi32>
      tpu.vector_store %arg18[%swap3A_123], %swap3A_126 {strides = array<i32>} : memref<80xi32, #tpu.memory_space<vmem>>, vector<16xi32>,
      %get3A_127 = arith.constant 1776 : index
      %get3A_128 = tpu.vector_load %arg13[%get3A_127] {strides = array<i32>} : memref<2000xi32, #tpu.memory_space<vmem>>, vector<16xi32>,
      %get3A_129 = vector.shape_cast %get3A_128 : vector<16xi32> to vector<16xi32>
      %swap3A_130 = arith.constant 16 : index
      %swap3A_131 = tpu.vector_load %arg18[%swap3A_130] {strides = array<i32>} : memref<80xi32, #tpu.memory_space<vmem>>, vector<16xi32>,
      %swap3A_132 = vector.shape_cast %swap3A_131 : vector<16xi32> to vector<16xi32>
      %swap3A_133 = vector.shape_cast %get3A_129 : vector<16xi32> to vector<16xi32>
      tpu.vector_store %arg18[%swap3A_130], %swap3A_133 {strides = array<i32>} : memref<80xi32, #tpu.memory_space<vmem>>, vector<16xi32>,
      %get3A_134 = arith.constant 1792 : index
      %get3A_135 = tpu.vector_load %arg13[%get3A_134] {strides = array<i32>} : memref<2000xi32, #tpu.memory_space<vmem>>, vector<16xi32>,
      %get3A_136 = vector.shape_cast %get3A_135 : vector<16xi32> to vector<16xi32>
      %swap3A_137 = arith.constant 32 : index
      %swap3A_138 = tpu.vector_load %arg18[%swap3A_137] {strides = array<i32>} : memref<80xi32, #tpu.memory_space<vmem>>, vector<16xi32>,
      %swap3A_139 = vector.shape_cast %swap3A_138 : vector<16xi32> to vector<16xi32>
      %swap3A_140 = vector.shape_cast %get3A_136 : vector<16xi32> to vector<16xi32>
      tpu.vector_store %arg18[%swap3A_137], %swap3A_140 {strides = array<i32>} : memref<80xi32, #tpu.memory_space<vmem>>, vector<16xi32>,
      %get3A_141 = arith.constant 1808 : index
      %get3A_142 = tpu.vector_load %arg13[%get3A_141] {strides = array<i32>} : memref<2000xi32, #tpu.memory_space<vmem>>, vector<16xi32>,
      %get3A_143 = vector.shape_cast %get3A_142 : vector<16xi32> to vector<16xi32>
      %swap3A_144 = arith.constant 48 : index
      %swap3A_145 = tpu.vector_load %arg18[%swap3A_144] {strides = array<i32>} : memref<80xi32, #tpu.memory_space<vmem>>, vector<16xi32>,
      %swap3A_146 = vector.shape_cast %swap3A_145 : vector<16xi32> to vector<16xi32>
      %swap3A_147 = vector.shape_cast %get3A_143 : vector<16xi32> to vector<16xi32>
      tpu.vector_store %arg18[%swap3A_144], %swap3A_147 {strides = array<i32>} : memref<80xi32, #tpu.memory_space<vmem>>, vector<16xi32>,
      %get3A_148 = arith.constant 1824 : index
      %get3A_149 = tpu.vector_load %arg13[%get3A_148] {strides = array<i32>} : memref<2000xi32, #tpu.memory_space<vmem>>, vector<16xi32>,
      %get3A_150 = vector.shape_cast %get3A_149 : vector<16xi32> to vector<16xi32>
      %swap3A_151 = arith.constant 64 : index
      %swap3A_152 = tpu.vector_load %arg18[%swap3A_151] {strides = array<i32>} : memref<80xi32, #tpu.memory_space<vmem>>, vector<16xi32>,
      %swap3A_153 = vector.shape_cast %swap3A_152 : vector<16xi32> to vector<16xi32>
      %swap3A_154 = vector.shape_cast %get3A_150 : vector<16xi32> to vector<16xi32>
      tpu.vector_store %arg18[%swap3A_151], %swap3A_154 {strides = array<i32>} : memref<80xi32, #tpu.memory_space<vmem>>, vector<16xi32>,
      %dma_start3A_155 = arith.constant 0 : i32
      %dma_start3A_156 = arith.constant 0 : i32
      %dma_start3A_157 = tpu.memref_slice %arg10[%dma_start3A_155, %dma_start3A_156] : memref<10000x128xf32, #tpu.memory_space<vmem_shared>> -> memref<10000x128xf32, #tpu.memory_space<vmem_shared>>
      tpu.enqueue_indirect_dma source(%arg15 : memref<80x128xf32, #tpu.memory_space<vmem>>) target(%dma_start3A_157 : memref<10000x128xf32, #tpu.memory_space<vmem_shared>>) offsets(%arg18 : memref<80xi32, #tpu.memory_space<vmem>>) semaphore(%arg25 : memref<!tpu.dma_semaphore, #tpu.memory_space<semaphore_mem>>) {add = true}
      %eq3A_158 = arith.constant 0 : i32
      %eq3A_159 = arith.cmpi eq, %arg0, %eq3A_158 : i32
      %convert_element_type3A_160 = arith.extui %eq3A_159 : i1 to i32
      %cond3A_161 = arith.constant 0 : i32
      %cond3A_162 = arith.cmpi ne, %convert_element_type3A_160, %cond3A_161 : i32
      scf.if %cond3A_162 {
        %dma_start3A_295 = arith.constant 0 : i32
        %dma_start3A_296 = arith.constant 0 : i32
        %dma_start3A_297 = tpu.memref_slice %arg11[%dma_start3A_295, %dma_start3A_296] : memref<10000x16xf32, #tpu.memory_space<vmem_shared>> -> memref<10000x16xf32, #tpu.memory_space<vmem_shared>>
        tpu.enqueue_indirect_dma source(%arg20 : memref<80x16xf32, #tpu.memory_space<vmem>>) target(%dma_start3A_297 : memref<10000x16xf32, #tpu.memory_space<vmem_shared>>) offsets(%arg18 : memref<80xi32, #tpu.memory_space<vmem>>) semaphore(%arg28 : memref<!tpu.dma_semaphore, #tpu.memory_space<semaphore_mem>>) {add = true}
      } else {
      }
      %dma_wait3A_163 = arith.constant 0 : i32
      %dma_wait3A_164 = arith.constant 0 : i32
      %dma_wait3A_165 = tpu.memref_slice %arg10[%dma_wait3A_163, %dma_wait3A_164] : memref<10000x128xf32, #tpu.memory_space<vmem_shared>> -> memref<80x128xf32, #tpu.memory_space<vmem_shared>>
      %dma_wait3A_166 = arith.constant 0 : i32
      %dma_wait3A_167 = arith.constant 0 : i32
      %dma_wait3A_168 = tpu.memref_slice %arg10[%dma_wait3A_166, %dma_wait3A_167] : memref<10000x128xf32, #tpu.memory_space<vmem_shared>> -> memref<80x128xf32, #tpu.memory_space<vmem_shared>>
      tpu.wait_dma2 semaphore(%arg25 : memref<!tpu.dma_semaphore, #tpu.memory_space<semaphore_mem>>) src(%arg15 : memref<80x128xf32, #tpu.memory_space<vmem>>) dst(%dma_wait3A_168 : memref<80x128xf32, #tpu.memory_space<vmem_shared>>)
      %eq3A_169 = arith.constant 0 : i32
      %eq3A_170 = arith.cmpi eq, %arg0, %eq3A_169 : i32
      %convert_element_type3A_171 = arith.extui %eq3A_170 : i1 to i32
      %cond3A_172 = arith.constant 0 : i32
      %cond3A_173 = arith.cmpi ne, %convert_element_type3A_171, %cond3A_172 : i32
      scf.if %cond3A_173 {
        %dma_wait3A_295 = arith.constant 0 : i32
        %dma_wait3A_296 = arith.constant 0 : i32
        %dma_wait3A_297 = tpu.memref_slice %arg11[%dma_wait3A_295, %dma_wait3A_296] : memref<10000x16xf32, #tpu.memory_space<vmem_shared>> -> memref<80x16xf32, #tpu.memory_space<vmem_shared>>
        %dma_wait3A_298 = arith.constant 0 : i32
        %dma_wait3A_299 = arith.constant 0 : i32
        %dma_wait3A_300 = tpu.memref_slice %arg11[%dma_wait3A_298, %dma_wait3A_299] : memref<10000x16xf32, #tpu.memory_space<vmem_shared>> -> memref<80x16xf32, #tpu.memory_space<vmem_shared>>
        tpu.wait_dma2 semaphore(%arg28 : memref<!tpu.dma_semaphore, #tpu.memory_space<semaphore_mem>>) src(%arg20 : memref<80x16xf32, #tpu.memory_space<vmem>>) dst(%dma_wait3A_300 : memref<80x16xf32, #tpu.memory_space<vmem_shared>>)
      } else {
      }
      %dma_wait3A_174 = arith.constant 0 : i32
      %dma_wait3A_175 = arith.constant 0 : i32
      %dma_wait3A_176 = tpu.memref_slice %arg2[%dma_wait3A_174, %dma_wait3A_175] : memref<20000x128xf32, #tpu.memory_space<hbm>> -> memref<80x128xf32, #tpu.memory_space<hbm>>
      %dma_wait3A_177 = arith.constant 0 : i32
      %dma_wait3A_178 = arith.constant 0 : i32
      %dma_wait3A_179 = tpu.memref_slice %arg2[%dma_wait3A_177, %dma_wait3A_178] : memref<20000x128xf32, #tpu.memory_space<hbm>> -> memref<80x128xf32, #tpu.memory_space<hbm>>
      tpu.wait_dma2 semaphore(%arg23 : memref<!tpu.dma_semaphore, #tpu.memory_space<semaphore_mem>>) src(%dma_wait3A_179 : memref<80x128xf32, #tpu.memory_space<hbm>>) dst(%arg16 : memref<80x128xf32, #tpu.memory_space<vmem>>)
      %get3A_180 = arith.constant 1840 : index
      %get3A_181 = tpu.vector_load %arg13[%get3A_180] {strides = array<i32>} : memref<2000xi32, #tpu.memory_space<vmem>>, vector<16xi32>,
      %get3A_182 = vector.shape_cast %get3A_181 : vector<16xi32> to vector<16xi32>
      %swap3A_183 = arith.constant 0 : index
      %swap3A_184 = tpu.vector_load %arg19[%swap3A_183] {strides = array<i32>} : memref<80xi32, #tpu.memory_space<vmem>>, vector<16xi32>,
      %swap3A_185 = vector.shape_cast %swap3A_184 : vector<16xi32> to vector<16xi32>
      %swap3A_186 = vector.shape_cast %get3A_182 : vector<16xi32> to vector<16xi32>
      tpu.vector_store %arg19[%swap3A_183], %swap3A_186 {strides = array<i32>} : memref<80xi32, #tpu.memory_space<vmem>>, vector<16xi32>,
      %get3A_187 = arith.constant 1856 : index
      %get3A_188 = tpu.vector_load %arg13[%get3A_187] {strides = array<i32>} : memref<2000xi32, #tpu.memory_space<vmem>>, vector<16xi32>,
      %get3A_189 = vector.shape_cast %get3A_188 : vector<16xi32> to vector<16xi32>
      %swap3A_190 = arith.constant 16 : index
      %swap3A_191 = tpu.vector_load %arg19[%swap3A_190] {strides = array<i32>} : memref<80xi32, #tpu.memory_space<vmem>>, vector<16xi32>,
      %swap3A_192 = vector.shape_cast %swap3A_191 : vector<16xi32> to vector<16xi32>
      %swap3A_193 = vector.shape_cast %get3A_189 : vector<16xi32> to vector<16xi32>
      tpu.vector_store %arg19[%swap3A_190], %swap3A_193 {strides = array<i32>} : memref<80xi32, #tpu.memory_space<vmem>>, vector<16xi32>,
      %get3A_194 = arith.constant 1872 : index
      %get3A_195 = tpu.vector_load %arg13[%get3A_194] {strides = array<i32>} : memref<2000xi32, #tpu.memory_space<vmem>>, vector<16xi32>,
      %get3A_196 = vector.shape_cast %get3A_195 : vector<16xi32> to vector<16xi32>
      %swap3A_197 = arith.constant 32 : index
      %swap3A_198 = tpu.vector_load %arg19[%swap3A_197] {strides = array<i32>} : memref<80xi32, #tpu.memory_space<vmem>>, vector<16xi32>,
      %swap3A_199 = vector.shape_cast %swap3A_198 : vector<16xi32> to vector<16xi32>
      %swap3A_200 = vector.shape_cast %get3A_196 : vector<16xi32> to vector<16xi32>
      tpu.vector_store %arg19[%swap3A_197], %swap3A_200 {strides = array<i32>} : memref<80xi32, #tpu.memory_space<vmem>>, vector<16xi32>,
      %get3A_201 = arith.constant 1888 : index
      %get3A_202 = tpu.vector_load %arg13[%get3A_201] {strides = array<i32>} : memref<2000xi32, #tpu.memory_space<vmem>>, vector<16xi32>,
      %get3A_203 = vector.shape_cast %get3A_202 : vector<16xi32> to vector<16xi32>
      %swap3A_204 = arith.constant 48 : index
      %swap3A_205 = tpu.vector_load %arg19[%swap3A_204] {strides = array<i32>} : memref<80xi32, #tpu.memory_space<vmem>>, vector<16xi32>,
      %swap3A_206 = vector.shape_cast %swap3A_205 : vector<16xi32> to vector<16xi32>
      %swap3A_207 = vector.shape_cast %get3A_203 : vector<16xi32> to vector<16xi32>
      tpu.vector_store %arg19[%swap3A_204], %swap3A_207 {strides = array<i32>} : memref<80xi32, #tpu.memory_space<vmem>>, vector<16xi32>,
      %get3A_208 = arith.constant 1904 : index
      %get3A_209 = tpu.vector_load %arg13[%get3A_208] {strides = array<i32>} : memref<2000xi32, #tpu.memory_space<vmem>>, vector<16xi32>,
      %get3A_210 = vector.shape_cast %get3A_209 : vector<16xi32> to vector<16xi32>
      %swap3A_211 = arith.constant 64 : index
      %swap3A_212 = tpu.vector_load %arg19[%swap3A_211] {strides = array<i32>} : memref<80xi32, #tpu.memory_space<vmem>>, vector<16xi32>,
      %swap3A_213 = vector.shape_cast %swap3A_212 : vector<16xi32> to vector<16xi32>
      %swap3A_214 = vector.shape_cast %get3A_210 : vector<16xi32> to vector<16xi32>
      tpu.vector_store %arg19[%swap3A_211], %swap3A_214 {strides = array<i32>} : memref<80xi32, #tpu.memory_space<vmem>>, vector<16xi32>,
      %dma_start3A_215 = arith.constant 0 : i32
      %dma_start3A_216 = arith.constant 0 : i32
      %dma_start3A_217 = tpu.memref_slice %arg10[%dma_start3A_215, %dma_start3A_216] : memref<10000x128xf32, #tpu.memory_space<vmem_shared>> -> memref<10000x128xf32, #tpu.memory_space<vmem_shared>>
      tpu.enqueue_indirect_dma source(%arg16 : memref<80x128xf32, #tpu.memory_space<vmem>>) target(%dma_start3A_217 : memref<10000x128xf32, #tpu.memory_space<vmem_shared>>) offsets(%arg19 : memref<80xi32, #tpu.memory_space<vmem>>) semaphore(%arg26 : memref<!tpu.dma_semaphore, #tpu.memory_space<semaphore_mem>>) {add = true}
      %eq3A_218 = arith.constant 0 : i32
      %eq3A_219 = arith.cmpi eq, %arg0, %eq3A_218 : i32
      %convert_element_type3A_220 = arith.extui %eq3A_219 : i1 to i32
      %cond3A_221 = arith.constant 0 : i32
      %cond3A_222 = arith.cmpi ne, %convert_element_type3A_220, %cond3A_221 : i32
      scf.if %cond3A_222 {
        %dma_start3A_295 = arith.constant 0 : i32
        %dma_start3A_296 = arith.constant 0 : i32
        %dma_start3A_297 = tpu.memref_slice %arg11[%dma_start3A_295, %dma_start3A_296] : memref<10000x16xf32, #tpu.memory_space<vmem_shared>> -> memref<10000x16xf32, #tpu.memory_space<vmem_shared>>
        tpu.enqueue_indirect_dma source(%arg20 : memref<80x16xf32, #tpu.memory_space<vmem>>) target(%dma_start3A_297 : memref<10000x16xf32, #tpu.memory_space<vmem_shared>>) offsets(%arg19 : memref<80xi32, #tpu.memory_space<vmem>>) semaphore(%arg29 : memref<!tpu.dma_semaphore, #tpu.memory_space<semaphore_mem>>) {add = true}
      } else {
      }
      %dma_wait3A_223 = arith.constant 0 : i32
      %dma_wait3A_224 = arith.constant 0 : i32
      %dma_wait3A_225 = tpu.memref_slice %arg10[%dma_wait3A_223, %dma_wait3A_224] : memref<10000x128xf32, #tpu.memory_space<vmem_shared>> -> memref<80x128xf32, #tpu.memory_space<vmem_shared>>
      %dma_wait3A_226 = arith.constant 0 : i32
      %dma_wait3A_227 = arith.constant 0 : i32
      %dma_wait3A_228 = tpu.memref_slice %arg10[%dma_wait3A_226, %dma_wait3A_227] : memref<10000x128xf32, #tpu.memory_space<vmem_shared>> -> memref<80x128xf32, #tpu.memory_space<vmem_shared>>
      tpu.wait_dma2 semaphore(%arg26 : memref<!tpu.dma_semaphore, #tpu.memory_space<semaphore_mem>>) src(%arg16 : memref<80x128xf32, #tpu.memory_space<vmem>>) dst(%dma_wait3A_228 : memref<80x128xf32, #tpu.memory_space<vmem_shared>>)
      %eq3A_229 = arith.constant 0 : i32
      %eq3A_230 = arith.cmpi eq, %arg0, %eq3A_229 : i32
      %convert_element_type3A_231 = arith.extui %eq3A_230 : i1 to i32
      %cond3A_232 = arith.constant 0 : i32
      %cond3A_233 = arith.cmpi ne, %convert_element_type3A_231, %cond3A_232 : i32
      scf.if %cond3A_233 {
        %dma_wait3A_295 = arith.constant 0 : i32
        %dma_wait3A_296 = arith.constant 0 : i32
        %dma_wait3A_297 = tpu.memref_slice %arg11[%dma_wait3A_295, %dma_wait3A_296] : memref<10000x16xf32, #tpu.memory_space<vmem_shared>> -> memref<80x16xf32, #tpu.memory_space<vmem_shared>>
        %dma_wait3A_298 = arith.constant 0 : i32
        %dma_wait3A_299 = arith.constant 0 : i32
        %dma_wait3A_300 = tpu.memref_slice %arg11[%dma_wait3A_298, %dma_wait3A_299] : memref<10000x16xf32, #tpu.memory_space<vmem_shared>> -> memref<80x16xf32, #tpu.memory_space<vmem_shared>>
        tpu.wait_dma2 semaphore(%arg29 : memref<!tpu.dma_semaphore, #tpu.memory_space<semaphore_mem>>) src(%arg20 : memref<80x16xf32, #tpu.memory_space<vmem>>) dst(%dma_wait3A_300 : memref<80x16xf32, #tpu.memory_space<vmem_shared>>)
      } else {
      }
      %dma_wait3A_234 = arith.constant 0 : i32
      %dma_wait3A_235 = arith.constant 0 : i32
      %dma_wait3A_236 = tpu.memref_slice %arg2[%dma_wait3A_234, %dma_wait3A_235] : memref<20000x128xf32, #tpu.memory_space<hbm>> -> memref<80x128xf32, #tpu.memory_space<hbm>>
      %dma_wait3A_237 = arith.constant 0 : i32
      %dma_wait3A_238 = arith.constant 0 : i32
      %dma_wait3A_239 = tpu.memref_slice %arg2[%dma_wait3A_237, %dma_wait3A_238] : memref<20000x128xf32, #tpu.memory_space<hbm>> -> memref<80x128xf32, #tpu.memory_space<hbm>>
      tpu.wait_dma2 semaphore(%arg21 : memref<!tpu.dma_semaphore, #tpu.memory_space<semaphore_mem>>) src(%dma_wait3A_239 : memref<80x128xf32, #tpu.memory_space<hbm>>) dst(%arg14 : memref<80x128xf32, #tpu.memory_space<vmem>>)
      %get3A_240 = arith.constant 1920 : index
      %get3A_241 = tpu.vector_load %arg13[%get3A_240] {strides = array<i32>} : memref<2000xi32, #tpu.memory_space<vmem>>, vector<16xi32>,
      %get3A_242 = vector.shape_cast %get3A_241 : vector<16xi32> to vector<16xi32>
      %swap3A_243 = arith.constant 0 : index
      %swap3A_244 = tpu.vector_load %arg17[%swap3A_243] {strides = array<i32>} : memref<80xi32, #tpu.memory_space<vmem>>, vector<16xi32>,
      %swap3A_245 = vector.shape_cast %swap3A_244 : vector<16xi32> to vector<16xi32>
      %swap3A_246 = vector.shape_cast %get3A_242 : vector<16xi32> to vector<16xi32>
      tpu.vector_store %arg17[%swap3A_243], %swap3A_246 {strides = array<i32>} : memref<80xi32, #tpu.memory_space<vmem>>, vector<16xi32>,
      %get3A_247 = arith.constant 1936 : index
      %get3A_248 = tpu.vector_load %arg13[%get3A_247] {strides = array<i32>} : memref<2000xi32, #tpu.memory_space<vmem>>, vector<16xi32>,
      %get3A_249 = vector.shape_cast %get3A_248 : vector<16xi32> to vector<16xi32>
      %swap3A_250 = arith.constant 16 : index
      %swap3A_251 = tpu.vector_load %arg17[%swap3A_250] {strides = array<i32>} : memref<80xi32, #tpu.memory_space<vmem>>, vector<16xi32>,
      %swap3A_252 = vector.shape_cast %swap3A_251 : vector<16xi32> to vector<16xi32>
      %swap3A_253 = vector.shape_cast %get3A_249 : vector<16xi32> to vector<16xi32>
      tpu.vector_store %arg17[%swap3A_250], %swap3A_253 {strides = array<i32>} : memref<80xi32, #tpu.memory_space<vmem>>, vector<16xi32>,
      %get3A_254 = arith.constant 1952 : index
      %get3A_255 = tpu.vector_load %arg13[%get3A_254] {strides = array<i32>} : memref<2000xi32, #tpu.memory_space<vmem>>, vector<16xi32>,
      %get3A_256 = vector.shape_cast %get3A_255 : vector<16xi32> to vector<16xi32>
      %swap3A_257 = arith.constant 32 : index
      %swap3A_258 = tpu.vector_load %arg17[%swap3A_257] {strides = array<i32>} : memref<80xi32, #tpu.memory_space<vmem>>, vector<16xi32>,
      %swap3A_259 = vector.shape_cast %swap3A_258 : vector<16xi32> to vector<16xi32>
      %swap3A_260 = vector.shape_cast %get3A_256 : vector<16xi32> to vector<16xi32>
      tpu.vector_store %arg17[%swap3A_257], %swap3A_260 {strides = array<i32>} : memref<80xi32, #tpu.memory_space<vmem>>, vector<16xi32>,
      %get3A_261 = arith.constant 1968 : index
      %get3A_262 = tpu.vector_load %arg13[%get3A_261] {strides = array<i32>} : memref<2000xi32, #tpu.memory_space<vmem>>, vector<16xi32>,
      %get3A_263 = vector.shape_cast %get3A_262 : vector<16xi32> to vector<16xi32>
      %swap3A_264 = arith.constant 48 : index
      %swap3A_265 = tpu.vector_load %arg17[%swap3A_264] {strides = array<i32>} : memref<80xi32, #tpu.memory_space<vmem>>, vector<16xi32>,
      %swap3A_266 = vector.shape_cast %swap3A_265 : vector<16xi32> to vector<16xi32>
      %swap3A_267 = vector.shape_cast %get3A_263 : vector<16xi32> to vector<16xi32>
      tpu.vector_store %arg17[%swap3A_264], %swap3A_267 {strides = array<i32>} : memref<80xi32, #tpu.memory_space<vmem>>, vector<16xi32>,
      %get3A_268 = arith.constant 1984 : index
      %get3A_269 = tpu.vector_load %arg13[%get3A_268] {strides = array<i32>} : memref<2000xi32, #tpu.memory_space<vmem>>, vector<16xi32>,
      %get3A_270 = vector.shape_cast %get3A_269 : vector<16xi32> to vector<16xi32>
      %swap3A_271 = arith.constant 64 : index
      %swap3A_272 = tpu.vector_load %arg17[%swap3A_271] {strides = array<i32>} : memref<80xi32, #tpu.memory_space<vmem>>, vector<16xi32>,
      %swap3A_273 = vector.shape_cast %swap3A_272 : vector<16xi32> to vector<16xi32>
      %swap3A_274 = vector.shape_cast %get3A_270 : vector<16xi32> to vector<16xi32>
      tpu.vector_store %arg17[%swap3A_271], %swap3A_274 {strides = array<i32>} : memref<80xi32, #tpu.memory_space<vmem>>, vector<16xi32>,
      %dma_start3A_275 = arith.constant 0 : i32
      %dma_start3A_276 = arith.constant 0 : i32
      %dma_start3A_277 = tpu.memref_slice %arg10[%dma_start3A_275, %dma_start3A_276] : memref<10000x128xf32, #tpu.memory_space<vmem_shared>> -> memref<10000x128xf32, #tpu.memory_space<vmem_shared>>
      tpu.enqueue_indirect_dma source(%arg14 : memref<80x128xf32, #tpu.memory_space<vmem>>) target(%dma_start3A_277 : memref<10000x128xf32, #tpu.memory_space<vmem_shared>>) offsets(%arg17 : memref<80xi32, #tpu.memory_space<vmem>>) semaphore(%arg24 : memref<!tpu.dma_semaphore, #tpu.memory_space<semaphore_mem>>) {add = true}
      %eq3A_278 = arith.constant 0 : i32
      %eq3A_279 = arith.cmpi eq, %arg0, %eq3A_278 : i32
      %convert_element_type3A_280 = arith.extui %eq3A_279 : i1 to i32
      %cond3A_281 = arith.constant 0 : i32
      %cond3A_282 = arith.cmpi ne, %convert_element_type3A_280, %cond3A_281 : i32
      scf.if %cond3A_282 {
        %dma_start3A_295 = arith.constant 0 : i32
        %dma_start3A_296 = arith.constant 0 : i32
        %dma_start3A_297 = tpu.memref_slice %arg11[%dma_start3A_295, %dma_start3A_296] : memref<10000x16xf32, #tpu.memory_space<vmem_shared>> -> memref<10000x16xf32, #tpu.memory_space<vmem_shared>>
        tpu.enqueue_indirect_dma source(%arg20 : memref<80x16xf32, #tpu.memory_space<vmem>>) target(%dma_start3A_297 : memref<10000x16xf32, #tpu.memory_space<vmem_shared>>) offsets(%arg17 : memref<80xi32, #tpu.memory_space<vmem>>) semaphore(%arg27 : memref<!tpu.dma_semaphore, #tpu.memory_space<semaphore_mem>>) {add = true}
      } else {
      }
      %dma_wait3A_283 = arith.constant 0 : i32
      %dma_wait3A_284 = arith.constant 0 : i32
      %dma_wait3A_285 = tpu.memref_slice %arg10[%dma_wait3A_283, %dma_wait3A_284] : memref<10000x128xf32, #tpu.memory_space<vmem_shared>> -> memref<80x128xf32, #tpu.memory_space<vmem_shared>>
      %dma_wait3A_286 = arith.constant 0 : i32
      %dma_wait3A_287 = arith.constant 0 : i32
      %dma_wait3A_288 = tpu.memref_slice %arg10[%dma_wait3A_286, %dma_wait3A_287] : memref<10000x128xf32, #tpu.memory_space<vmem_shared>> -> memref<80x128xf32, #tpu.memory_space<vmem_shared>>
      tpu.wait_dma2 semaphore(%arg24 : memref<!tpu.dma_semaphore, #tpu.memory_space<semaphore_mem>>) src(%arg14 : memref<80x128xf32, #tpu.memory_space<vmem>>) dst(%dma_wait3A_288 : memref<80x128xf32, #tpu.memory_space<vmem_shared>>)
      %eq3A_289 = arith.constant 0 : i32
      %eq3A_290 = arith.cmpi eq, %arg0, %eq3A_289 : i32
      %convert_element_type3A_291 = arith.extui %eq3A_290 : i1 to i32
      %cond3A_292 = arith.constant 0 : i32
      %cond3A_293 = arith.cmpi ne, %convert_element_type3A_291, %cond3A_292 : i32
      scf.if %cond3A_293 {
        %dma_wait3A_295 = arith.constant 0 : i32
        %dma_wait3A_296 = arith.constant 0 : i32
        %dma_wait3A_297 = tpu.memref_slice %arg11[%dma_wait3A_295, %dma_wait3A_296] : memref<10000x16xf32, #tpu.memory_space<vmem_shared>> -> memref<80x16xf32, #tpu.memory_space<vmem_shared>>
        %dma_wait3A_298 = arith.constant 0 : i32
        %dma_wait3A_299 = arith.constant 0 : i32
        %dma_wait3A_300 = tpu.memref_slice %arg11[%dma_wait3A_298, %dma_wait3A_299] : memref<10000x16xf32, #tpu.memory_space<vmem_shared>> -> memref<80x16xf32, #tpu.memory_space<vmem_shared>>
        tpu.wait_dma2 semaphore(%arg27 : memref<!tpu.dma_semaphore, #tpu.memory_space<semaphore_mem>>) src(%arg20 : memref<80x16xf32, #tpu.memory_space<vmem>>) dst(%dma_wait3A_300 : memref<80x16xf32, #tpu.memory_space<vmem_shared>>)
      } else {
      }
      %scan3A_294 = arith.constant 0 : i32
      scf.yield %scan3A_294 : i32
    }
    %scan3A_10 = arith.constant 5 : i32
    %barrier3A_11 = arith.constant 0 : index
    tpu.barrier barrier_id(%barrier3A_11)
    "tpu.region"() ({
      %run_scoped3A = tpu.sem_alloc : memref<!tpu.dma_semaphore, #tpu.memory_space<semaphore_mem>>
      %dma_start3A = arith.constant 0 : i32
      %dma_start3A_17 = tpu.memref_slice %arg8[%arg0, %mul3A_2, %dma_start3A] : memref<2x10000x128xf32, #tpu.memory_space<hbm>> -> memref<1x625x128xf32, #tpu.memory_space<hbm>>
      %dma_start3A_18 = tpu.memref_squeeze %dma_start3A_17 : memref<1x625x128xf32, #tpu.memory_space<hbm>> -> memref<625x128xf32, #tpu.memory_space<hbm>>
      %dma_start3A_19 = arith.constant 0 : i32
      %dma_start3A_20 = tpu.memref_slice %arg10[%mul3A_2, %dma_start3A_19] : memref<10000x128xf32, #tpu.memory_space<vmem_shared>> -> memref<625x128xf32, #tpu.memory_space<vmem_shared>>
      tpu.enqueue_dma source(%dma_start3A_20 : memref<625x128xf32, #tpu.memory_space<vmem_shared>>) target(%dma_start3A_18 : memref<625x128xf32, #tpu.memory_space<hbm>>) target_semaphore(%run_scoped3A : memref<!tpu.dma_semaphore, #tpu.memory_space<semaphore_mem>>)
      %dma_wait3A = arith.constant 0 : i32
      %dma_wait3A_21 = tpu.memref_slice %arg8[%arg0, %mul3A_2, %dma_wait3A] : memref<2x10000x128xf32, #tpu.memory_space<hbm>> -> memref<1x625x128xf32, #tpu.memory_space<hbm>>
      %dma_wait3A_22 = tpu.memref_squeeze %dma_wait3A_21 : memref<1x625x128xf32, #tpu.memory_space<hbm>> -> memref<625x128xf32, #tpu.memory_space<hbm>>
      %dma_wait3A_23 = arith.constant 0 : i32
      %dma_wait3A_24 = tpu.memref_slice %arg10[%mul3A_2, %dma_wait3A_23] : memref<10000x128xf32, #tpu.memory_space<vmem_shared>> -> memref<625x128xf32, #tpu.memory_space<vmem_shared>>
      tpu.wait_dma2 semaphore(%run_scoped3A : memref<!tpu.dma_semaphore, #tpu.memory_space<semaphore_mem>>) src(%dma_wait3A_24 : memref<625x128xf32, #tpu.memory_space<vmem_shared>>) dst(%dma_wait3A_22 : memref<625x128xf32, #tpu.memory_space<hbm>>)
      tpu.yield
    }) : () -> ()
    %eq3A_12 = arith.constant 0 : i32
    %eq3A_13 = arith.cmpi eq, %arg0, %eq3A_12 : i32
    %convert_element_type3A_14 = arith.extui %eq3A_13 : i1 to i32
    %cond3A_15 = arith.constant 0 : i32
    %cond3A_16 = arith.cmpi ne, %convert_element_type3A_14, %cond3A_15 : i32
    scf.if %cond3A_16 {
      "tpu.region"() ({
        %run_scoped3A = tpu.sem_alloc : memref<!tpu.dma_semaphore, #tpu.memory_space<semaphore_mem>>
        %dma_start3A = arith.constant 0 : i32
        %dma_start3A_17 = tpu.memref_slice %arg9[%mul3A_2, %dma_start3A] : memref<10000x16xf32, #tpu.memory_space<hbm>> -> memref<625x16xf32, #tpu.memory_space<hbm>>
        %dma_start3A_18 = arith.constant 0 : i32
        %dma_start3A_19 = tpu.memref_slice %arg11[%mul3A_2, %dma_start3A_18] : memref<10000x16xf32, #tpu.memory_space<vmem_shared>> -> memref<625x16xf32, #tpu.memory_space<vmem_shared>>
        tpu.enqueue_dma source(%dma_start3A_19 : memref<625x16xf32, #tpu.memory_space<vmem_shared>>) target(%dma_start3A_17 : memref<625x16xf32, #tpu.memory_space<hbm>>) target_semaphore(%run_scoped3A : memref<!tpu.dma_semaphore, #tpu.memory_space<semaphore_mem>>)
        %dma_wait3A = arith.constant 0 : i32
        %dma_wait3A_20 = tpu.memref_slice %arg9[%mul3A_2, %dma_wait3A] : memref<10000x16xf32, #tpu.memory_space<hbm>> -> memref<625x16xf32, #tpu.memory_space<hbm>>
        %dma_wait3A_21 = arith.constant 0 : i32
        %dma_wait3A_22 = tpu.memref_slice %arg11[%mul3A_2, %dma_wait3A_21] : memref<10000x16xf32, #tpu.memory_space<vmem_shared>> -> memref<625x16xf32, #tpu.memory_space<vmem_shared>>
        tpu.wait_dma2 semaphore(%run_scoped3A : memref<!tpu.dma_semaphore, #tpu.memory_space<semaphore_mem>>) src(%dma_wait3A_22 : memref<625x16xf32, #tpu.memory_space<vmem_shared>>) dst(%dma_wait3A_20 : memref<625x16xf32, #tpu.memory_space<hbm>>)
        tpu.yield
      }) : () -> ()
    } else {
    }
    return
  }
}

module attributes {stable_mosaic.version = 14 : i64} {
  func.func @_tc_body(%arg0: i32, %arg1: memref<1000x256xf32, #tpu.memory_space<vmem>>, %arg2: memref<1x1000x128xf32, #tpu.memory_space<vmem>>, %arg3: memref<1x1000x128xf32, #tpu.memory_space<vmem>>, %arg4: memref<1000x16xf32, #tpu.memory_space<vmem>>, %arg5: memref<256x256xf32, #tpu.memory_space<vmem>>, %arg6: memref<128x256xf32, #tpu.memory_space<vmem>>, %arg7: memref<128x256xf32, #tpu.memory_space<vmem>>, %arg8: memref<1x256xf32, #tpu.memory_space<vmem>>, %arg9: memref<1x256xf32, #tpu.memory_space<vmem>>, %arg10: memref<1x256xf32, #tpu.memory_space<vmem>>, %arg11: memref<1000x256xf32, #tpu.memory_space<vmem>>) attributes {dimension_semantics = [#tpu.dimension_semantics<arbitrary>], iteration_bounds = array<i64: 10>, scalar_prefetch = 0 : i64, scratch_operands = 0 : i64, tpu.core_type = #tpu.core_type<tc>, window_params = [{transform_indices = @transform_0, window_bounds = array<i64: 1000, 256>}, {transform_indices = @transform_1, window_bounds = array<i64: 1, 1000, 128>}, {transform_indices = @transform_2, window_bounds = array<i64: 1, 1000, 128>}, {transform_indices = @transform_3, window_bounds = array<i64: 1000, 16>}, {pipeline_mode = #tpu.pipeline_mode<synchronous>, transform_indices = @transform_4, window_bounds = array<i64: 256, 256>}, {pipeline_mode = #tpu.pipeline_mode<synchronous>, transform_indices = @transform_5, window_bounds = array<i64: 128, 256>}, {pipeline_mode = #tpu.pipeline_mode<synchronous>, transform_indices = @transform_6, window_bounds = array<i64: 128, 256>}, {pipeline_mode = #tpu.pipeline_mode<synchronous>, transform_indices = @transform_7, window_bounds = array<i64: 1, 256>}, {pipeline_mode = #tpu.pipeline_mode<synchronous>, transform_indices = @transform_8, window_bounds = array<i64: 1, 256>}, {pipeline_mode = #tpu.pipeline_mode<synchronous>, transform_indices = @transform_9, window_bounds = array<i64: 1, 256>}, {transform_indices = @transform_10, window_bounds = array<i64: 1000, 256>}]} {
    %get3A = arith.constant 0 : index
    %get3A_0 = arith.constant 0 : index
    %get3A_1 = vector.load %arg4[%get3A, %get3A_0] : memref<1000x16xf32, #tpu.memory_space<vmem>>, vector<1000x1xf32>
    %max3A = arith.constant 1.000000e+00 : f32
    %max3A_2 = vector.broadcast %max3A : f32 to vector<1000x1xf32>
    %max3A_3 = arith.maximumf %get3A_1, %max3A_2 : vector<1000x1xf32>
    %div3A = arith.constant 1.000000e+00 : f32
    %div3A_4 = vector.broadcast %div3A : f32 to vector<1000x1xf32>
    %div3A_5 = arith.divf %div3A_4, %max3A_3 : vector<1000x1xf32>
    %get3A_6 = arith.constant 0 : index
    %get3A_7 = arith.constant 0 : index
    %get3A_8 = vector.load %arg1[%get3A_6, %get3A_7] : memref<1000x256xf32, #tpu.memory_space<vmem>>, vector<1000x256xf32>
    %get3A_9 = arith.constant 0 : index
    %get3A_10 = arith.constant 0 : index
    %get3A_11 = vector.load %arg5[%get3A_9, %get3A_10] : memref<256x256xf32, #tpu.memory_space<vmem>>, vector<256x256xf32>
    %dot_general3A = arith.constant dense<0.000000e+00> : vector<1000x256xf32>
    %dot_general3A_12 = tpu.matmul %get3A_8, %get3A_11, %dot_general3A {dimension_numbers = #tpu.dot_dimension_numbers<[1], [0], [0], [1], [0, 0, 1, 1], [], []>, transpose_lhs_hint = false} : vector<1000x256xf32>, vector<256x256xf32>, vector<1000x256xf32> -> vector<1000x256xf32>
    %get3A_13 = arith.constant 0 : index
    %get3A_14 = arith.constant 0 : index
    %get3A_15 = arith.constant 0 : index
    %get3A_16 = vector.load %arg2[%get3A_13, %get3A_14, %get3A_15] : memref<1x1000x128xf32, #tpu.memory_space<vmem>>, vector<1x1000x128xf32>
    %get3A_17 = vector.shape_cast %get3A_16 : vector<1x1000x128xf32> to vector<1000x128xf32>
    %mul3A = vector.broadcast %div3A_5 : vector<1000x1xf32> to vector<1000x128xf32>
    %mul3A_18 = arith.mulf %get3A_17, %mul3A : vector<1000x128xf32>
    %get3A_19 = arith.constant 0 : index
    %get3A_20 = arith.constant 0 : index
    %get3A_21 = vector.load %arg6[%get3A_19, %get3A_20] : memref<128x256xf32, #tpu.memory_space<vmem>>, vector<128x256xf32>
    %dot_general3A_22 = arith.constant dense<0.000000e+00> : vector<1000x256xf32>
    %dot_general3A_23 = tpu.matmul %mul3A_18, %get3A_21, %dot_general3A_22 {dimension_numbers = #tpu.dot_dimension_numbers<[1], [0], [0], [1], [0, 0, 1, 1], [], []>, transpose_lhs_hint = false} : vector<1000x128xf32>, vector<128x256xf32>, vector<1000x256xf32> -> vector<1000x256xf32>
    %add3A = arith.addf %dot_general3A_12, %dot_general3A_23 : vector<1000x256xf32>
    %get3A_24 = arith.constant 0 : index
    %get3A_25 = arith.constant 0 : index
    %get3A_26 = arith.constant 0 : index
    %get3A_27 = vector.load %arg3[%get3A_24, %get3A_25, %get3A_26] : memref<1x1000x128xf32, #tpu.memory_space<vmem>>, vector<1x1000x128xf32>
    %get3A_28 = vector.shape_cast %get3A_27 : vector<1x1000x128xf32> to vector<1000x128xf32>
    %mul3A_29 = vector.broadcast %div3A_5 : vector<1000x1xf32> to vector<1000x128xf32>
    %mul3A_30 = arith.mulf %get3A_28, %mul3A_29 : vector<1000x128xf32>
    %get3A_31 = arith.constant 0 : index
    %get3A_32 = arith.constant 0 : index
    %get3A_33 = vector.load %arg7[%get3A_31, %get3A_32] : memref<128x256xf32, #tpu.memory_space<vmem>>, vector<128x256xf32>
    %dot_general3A_34 = arith.constant dense<0.000000e+00> : vector<1000x256xf32>
    %dot_general3A_35 = tpu.matmul %mul3A_30, %get3A_33, %dot_general3A_34 {dimension_numbers = #tpu.dot_dimension_numbers<[1], [0], [0], [1], [0, 0, 1, 1], [], []>, transpose_lhs_hint = false} : vector<1000x128xf32>, vector<128x256xf32>, vector<1000x256xf32> -> vector<1000x256xf32>
    %add3A_36 = arith.addf %add3A, %dot_general3A_35 : vector<1000x256xf32>
    %get3A_37 = arith.constant 0 : index
    %get3A_38 = arith.constant 0 : index
    %get3A_39 = vector.load %arg8[%get3A_37, %get3A_38] : memref<1x256xf32, #tpu.memory_space<vmem>>, vector<1x256xf32>
    %add3A_40 = vector.broadcast %get3A_39 : vector<1x256xf32> to vector<1000x256xf32>
    %add3A_41 = arith.addf %add3A_36, %add3A_40 : vector<1000x256xf32>
    %reduce_sum3A = arith.constant dense<0.000000e+00> : vector<1000xf32>
    %reduce_sum3A_42 = vector.multi_reduction <add>, %add3A_41, %reduce_sum3A [1] : vector<1000x256xf32> to vector<1000xf32>
    %broadcast_in_dim3A = vector.shape_cast %reduce_sum3A_42 : vector<1000xf32> to vector<1000x1xf32>
    %div3A_43 = arith.constant 2.560000e+02 : f32
    %div3A_44 = vector.broadcast %div3A_43 : f32 to vector<1000x1xf32>
    %div3A_45 = arith.divf %broadcast_in_dim3A, %div3A_44 : vector<1000x1xf32>
    %sub3A = vector.broadcast %div3A_45 : vector<1000x1xf32> to vector<1000x256xf32>
    %sub3A_46 = arith.subf %add3A_41, %sub3A : vector<1000x256xf32>
    %mul3A_47 = arith.mulf %sub3A_46, %sub3A_46 : vector<1000x256xf32>
    %reduce_sum3A_48 = arith.constant dense<0.000000e+00> : vector<1000xf32>
    %reduce_sum3A_49 = vector.multi_reduction <add>, %mul3A_47, %reduce_sum3A_48 [1] : vector<1000x256xf32> to vector<1000xf32>
    %broadcast_in_dim3A_50 = vector.shape_cast %reduce_sum3A_49 : vector<1000xf32> to vector<1000x1xf32>
    %div3A_51 = arith.constant 2.560000e+02 : f32
    %div3A_52 = vector.broadcast %div3A_51 : f32 to vector<1000x1xf32>
    %div3A_53 = arith.divf %broadcast_in_dim3A_50, %div3A_52 : vector<1000x1xf32>
    %add3A_54 = arith.constant 9.99999974E-6 : f32
    %add3A_55 = vector.broadcast %add3A_54 : f32 to vector<1000x1xf32>
    %add3A_56 = arith.addf %div3A_53, %add3A_55 : vector<1000x1xf32>
    %rsqrt3A = math.rsqrt %add3A_56 : vector<1000x1xf32>
    %mul3A_57 = vector.broadcast %rsqrt3A : vector<1000x1xf32> to vector<1000x256xf32>
    %mul3A_58 = arith.mulf %sub3A_46, %mul3A_57 : vector<1000x256xf32>
    %get3A_59 = arith.constant 0 : index
    %get3A_60 = arith.constant 0 : index
    %get3A_61 = vector.load %arg9[%get3A_59, %get3A_60] : memref<1x256xf32, #tpu.memory_space<vmem>>, vector<1x256xf32>
    %mul3A_62 = vector.broadcast %get3A_61 : vector<1x256xf32> to vector<1000x256xf32>
    %mul3A_63 = arith.mulf %mul3A_58, %mul3A_62 : vector<1000x256xf32>
    %get3A_64 = arith.constant 0 : index
    %get3A_65 = arith.constant 0 : index
    %get3A_66 = vector.load %arg10[%get3A_64, %get3A_65] : memref<1x256xf32, #tpu.memory_space<vmem>>, vector<1x256xf32>
    %add3A_67 = vector.broadcast %get3A_66 : vector<1x256xf32> to vector<1000x256xf32>
    %add3A_68 = arith.addf %mul3A_63, %add3A_67 : vector<1000x256xf32>
    %max3A_69 = arith.constant 0.000000e+00 : f32
    %max3A_70 = vector.broadcast %max3A_69 : f32 to vector<1000x256xf32>
    %max3A_71 = arith.maximumf %add3A_68, %max3A_70 : vector<1000x256xf32>
    %swap3A = arith.constant 0 : index
    %swap3A_72 = arith.constant 0 : index
    %swap3A_73 = vector.load %arg11[%swap3A, %swap3A_72] : memref<1000x256xf32, #tpu.memory_space<vmem>>, vector<1000x256xf32>
    tpu.vector_store %arg11[%swap3A, %swap3A_72], %max3A_71 {strides = array<i32>} : memref<1000x256xf32, #tpu.memory_space<vmem>>, vector<1000x256xf32>,
    return
  }
  func.func @transform_0(%arg0: i32) -> (i32, i32) {
    %c0_i32 = arith.constant 0 : i32
    %c0_i32_0 = arith.constant 0 : i32
    return %arg0, %c0_i32 : i32, i32
  }
  func.func @transform_1(%arg0: i32) -> (i32, i32, i32) {
    %c0_i32 = arith.constant 0 : i32
    %c0_i32_0 = arith.constant 0 : i32
    %c0_i32_1 = arith.constant 0 : i32
    return %c0_i32, %arg0, %c0_i32_0 : i32, i32, i32
  }
  func.func @transform_2(%arg0: i32) -> (i32, i32, i32) {
    %c1_i32 = arith.constant 1 : i32
    %c0_i32 = arith.constant 0 : i32
    %c0_i32_0 = arith.constant 0 : i32
    return %c1_i32, %arg0, %c0_i32 : i32, i32, i32
  }
  func.func @transform_3(%arg0: i32) -> (i32, i32) {
    %c0_i32 = arith.constant 0 : i32
    %c0_i32_0 = arith.constant 0 : i32
    return %arg0, %c0_i32 : i32, i32
  }
  func.func @transform_4(%arg0: i32) -> (i32, i32) {
    %c0_i32 = arith.constant 0 : i32
    %c0_i32_0 = arith.constant 0 : i32
    %c0_i32_1 = arith.constant 0 : i32
    return %c0_i32, %c0_i32_0 : i32, i32
  }
  func.func @transform_5(%arg0: i32) -> (i32, i32) {
    %c0_i32 = arith.constant 0 : i32
    %c0_i32_0 = arith.constant 0 : i32
    %c0_i32_1 = arith.constant 0 : i32
    return %c0_i32, %c0_i32_0 : i32, i32
  }
  func.func @transform_6(%arg0: i32) -> (i32, i32) {
    %c0_i32 = arith.constant 0 : i32
    %c0_i32_0 = arith.constant 0 : i32
    %c0_i32_1 = arith.constant 0 : i32
    return %c0_i32, %c0_i32_0 : i32, i32
  }
  func.func @transform_7(%arg0: i32) -> (i32, i32) {
    %c0_i32 = arith.constant 0 : i32
    %c0_i32_0 = arith.constant 0 : i32
    %c0_i32_1 = arith.constant 0 : i32
    return %c0_i32, %c0_i32_0 : i32, i32
  }
  func.func @transform_8(%arg0: i32) -> (i32, i32) {
    %c0_i32 = arith.constant 0 : i32
    %c0_i32_0 = arith.constant 0 : i32
    %c0_i32_1 = arith.constant 0 : i32
    return %c0_i32, %c0_i32_0 : i32, i32
  }
  func.func @transform_9(%arg0: i32) -> (i32, i32) {
    %c0_i32 = arith.constant 0 : i32
    %c0_i32_0 = arith.constant 0 : i32
    %c0_i32_1 = arith.constant 0 : i32
    return %c0_i32, %c0_i32_0 : i32, i32
  }
  func.func @transform_10(%arg0: i32) -> (i32, i32) {
    %c0_i32 = arith.constant 0 : i32
    %c0_i32_0 = arith.constant 0 : i32
    return %arg0, %c0_i32 : i32, i32
  }
}

</mosaic_0001>

<sc_bundles>
// kernel: kernel.4.cloned.1.call-start
scs
__scs_entry_jumppad:
0x0: {  	(pc) =	sbr.rel $0x88, $3  }
0x1: {  	(tag) =	ssettag $0x0;
	lr =	simm.s32 $0x1  }
0x2: {  	[smem:$0x3F9A] =	sst lr;
	_ =	strace $0xD0000000  }
0x3: {  	_ = 	snop  }
0x4: {  	_ = 	snop  }
0x5: {  	_ = 	snop  }
0x6: {  	_ = 	snop  }
0x7: {  	_ = 	snop  }
__scs_overlays_trampoline_lowered:
0x8: {  	[smem:$0x3FA9] =	sst s0  }
0x9: {  	[smem:$0x3FAA] =	sst s1  }
0xa: {  	[smem:$0x3FAB] =	sst s2  }
0xb: {  	[smem:$0x3FAC] =	sst s3  }
0xc: {  	[smem:$0x3FAD] =	sst s4  }
0xd: {  	[smem:$0x3FAE] =	sst s5  }
0xe: {  	[smem:$0x3FAF] =	sst s6  }
0xf: {  	[smem:$0x3FB0] =	sst s7  }
0x10: {  	[smem:$0x3FB1] =	sst s8  }
0x11: {  	[smem:$0x3FB2] =	sst s9;
	s0 =	simm.s32 @!p0 $0x0  }
0x12: {  	s1 =	sld [smem:$0x3F98];
	s0 =	simm.s32 @p0 $0x1  }
0x13: {  	[smem:$0x3FB3] =	sst s0;
	s0 =	simm.s32 @!p1 $0x0  }
0x14: {  	s2 =	sld [smem:$0x3F97];
	s0 =	simm.s32 @p1 $0x1  }
0x15: {  	[smem:$0x3FB4] =	sst s0;
	s0 =	simm.s32 @!p2 $0x0  }
0x16: {  	s3 =	sld [smem:$0x3FDB];
	s0 =	simm.s32 @p2 $0x1  }
0x17: {  	s4 =	simm.s32 $0x1BF5;
	[smem:$0x3FB6] =	sst s0  }
0x18: {  	s0 =	sld [smem:$0x3F99];
	_ =	swait.ge [sflag:s4], $0x0  }
0x19: {  	s7 =	sld [smem:$0x3F9A]  }
0x1a: {  	s8 =	sadd.s32 $0xFFFFE003, lr  }
0x1b: {  	s9 =	sadd.s32 $0xFFFFFEF7, lr;
	s5 =	simm.s32 $0xFFFFFFFF;
	p2 =	slt.u32 s8, $0xFFFFF086  }
0x1c: {  	p1 =	slt.u32 s9, $0xF7A;
	s5 =	simm.s32 @!p2 $0x0  }
0x1d: {  	s5 =	simm.s32 @p1 $0x1;
	p0 =	seq.s32 s7, s2  }
0x1e: {  	s7 =	smul.u32 @!p0 $0xF7A, s2;
	p2 =	seq.s32 @!p0 s5, $0x0  }
0x1f: {  	s9 =	smul.u32 $0xF7A, s1;
	s8 =	simm.s32 @!p0 $0x1BF5;
	p2 =	por !p2, p0  }
0x20: {  	[sflag:s8] =	ssyncset.s32 @!p0 $0xFFFFF086;
	s6 =	sadd.s32 @!p0 s3, s7;
	s7 =	simm.s32 @!p0 $0x108  }
0x21: {  	s3 =	sadd.s32 s3, s9;
	s6 =	sadd.s32 @!p0 $0x88, s6;
	s7 =	simm.s32 @p2 $0x1082  }
0x22: {  	[simem:s7], [sflag:s8] =	dma.local @!p0 [hbm:s6], $0xF7A  }
0x23: {  	s9 =	sor.u32 $0xD0000000, s2;
	s6 =	simm.s32 $0x108;
	_ =	swait.ge @!p0 [sflag:s8], $0x0  }
0x24: {  	s3 =	sadd.s32 $0x88, s3;
	s6 =	simm.s32 @!p1 $0x1082;
	[sflag:s4] =	ssyncset.s32 $0xFFFFF086  }
0x25: {  	[simem:s6], [sflag:s4] =	dma.local [hbm:s3], $0xF7A  }
0x26: {  	[smem:$0x3F9A] =	sst s1;
	(tag) =	ssettag s2;
	_ =	strace s9  }
0x27: {  	s1 =	sld [smem:$0x3FAA]  }
0x28: {  	s2 =	sld [smem:$0x3FAB]  }
0x29: {  	s4 =	sld [smem:$0x3FAD]  }
0x2a: {  	p0 =	seq.s32 s5, $0x0;
	s5 =	sld [smem:$0x3FAE]  }
0x2b: {  	s6 =	sld [smem:$0x3FAF]  }
0x2c: {  	s7 =	sld [smem:$0x3FB0]  }
0x2d: {  	s3 =	simm.s32 $0x108;
	s8 =	sld [smem:$0x3FB1]  }
0x2e: {  	s3 =	simm.s32 @!p0 $0x1082;
	s9 =	sld [smem:$0x3FB2]  }
0x2f: {  	lr =	sadd.s32 s0, s3;
	s0 =	sld [smem:$0x3FA9]  }
0x30: {  	s3 =	sld [smem:$0x3FAC]  }
0x31: {  	[smem:$0x3FB5] =	sst s10  }
0x32: {  	s10 =	sld [smem:$0x3FB3];
	_ =	sdelay $0x3  }
0x33: {  	p0 =	seq.s32 s10, $0x1;
	s10 =	sld [smem:$0x3FB5];
	_ =	sdelay $0x3  }
0x34: {  	[smem:$0x3FB5] =	sst s10  }
0x35: {  	s10 =	sld [smem:$0x3FB4];
	_ =	sdelay $0x3  }
0x36: {  	p1 =	seq.s32 s10, $0x1;
	s10 =	sld [smem:$0x3FB5];
	_ =	sdelay $0x3  }
0x37: {  	[smem:$0x3FB5] =	sst s10  }
0x38: {  	s10 =	sld [smem:$0x3FB6]  }
0x39: {  	_ = 	snop;
	(pc) =	sbr.ind lr, $3  }
0x3a: {  	_ = 	snop  }
0x3b: {  	_ = 	snop  }
0x3c: {  	p2 =	seq.s32 s10, $0x1;
	s10 =	sld [smem:$0x3FB5]  }
0x3d: {  	_ =	shalt  }
0x3e: {  	_ =	shalt  }
0x3f: {  	_ =	shalt  }
0x40: {  	_ =	shalt  }
0x41: {  	_ =	shalt  }
0x42: {  	_ =	shalt  }
0x43: {  	_ =	shalt  }
0x44: {  	_ =	shalt  }
0x45: {  	_ =	shalt  }
0x46: {  	_ =	shalt  }
0x47: {  	_ =	shalt  }
0x48: {  	_ =	shalt  }
0x49: {  	_ =	shalt  }
0x4a: {  	_ =	shalt  }
0x4b: {  	_ =	shalt  }
0x4c: {  	_ =	shalt  }
0x4d: {  	_ =	shalt  }
0x4e: {  	_ =	shalt  }
0x4f: {  	_ =	shalt  }
0x50: {  	_ =	shalt  }
0x51: {  	_ =	shalt  }
0x52: {  	_ =	shalt  }
0x53: {  	_ =	shalt  }
0x54: {  	_ =	shalt  }
0x55: {  	_ =	shalt  }
0x56: {  	_ =	shalt  }
0x57: {  	_ =	shalt  }
0x58: {  	_ =	shalt  }
0x59: {  	_ =	shalt  }
0x5a: {  	_ =	shalt  }
0x5b: {  	_ =	shalt  }
0x5c: {  	_ =	shalt  }
0x5d: {  	_ =	shalt  }
0x5e: {  	_ =	shalt  }
0x5f: {  	_ =	shalt  }
0x60: {  	_ =	shalt  }
0x61: {  	_ =	shalt  }
0x62: {  	_ =	shalt  }
0x63: {  	_ =	shalt  }
0x64: {  	_ =	shalt  }
0x65: {  	_ =	shalt  }
0x66: {  	_ =	shalt  }
0x67: {  	_ =	shalt  }
0x68: {  	_ =	shalt  }
0x69: {  	_ =	shalt  }
0x6a: {  	_ =	shalt  }
0x6b: {  	_ =	shalt  }
0x6c: {  	_ =	shalt  }
0x6d: {  	_ =	shalt  }
0x6e: {  	_ =	shalt  }
0x6f: {  	_ =	shalt  }
0x70: {  	_ =	shalt  }
0x71: {  	_ =	shalt  }
0x72: {  	_ =	shalt  }
0x73: {  	_ =	shalt  }
0x74: {  	_ =	shalt  }
0x75: {  	_ =	shalt  }
0x76: {  	_ =	shalt  }
0x77: {  	_ =	shalt  }
0x78: {  	_ =	shalt  }
0x79: {  	_ =	shalt  }
0x7a: {  	_ =	shalt  }
0x7b: {  	_ =	shalt  }
0x7c: {  	_ =	shalt  }
0x7d: {  	_ =	shalt  }
0x7e: {  	_ =	shalt  }
0x7f: {  	_ =	shalt  }
0x80: {  	_ =	shalt  }
0x81: {  	_ =	shalt  }
0x82: {  	_ =	shalt  }
0x83: {  	_ =	shalt  }
0x84: {  	_ =	shalt  }
0x85: {  	_ =	shalt  }
0x86: {  	_ =	shalt  }
0x87: {  	_ =	shalt  }
.Lfunc_end0:
.L_simem_size_0:
called_computation_lowered:
.L_overlay_start_0:
0x88: {  	s2 =	sld [smem:$0x3FD9]  }
0x89: {  	s3 =	sld [smem:$0x3FFE];
	_ =	sdelay $0x1  }
0x8a: {  	s1 =	srdreg.scid  }
0x8b: {  	s0 =	sand.u32 $0x1, s1  }
0x8c: {  	s17 =	sshll.u32 s0, $0xA;
	s2 =	sadd.s32 s3, s2  }
0x8d: {  	s2 =	sadd.s32 s2, s17  }
0x8e: {  	[smem:$0x3FC1] =	sst s2  }
0x8f: {  	_ = 	snop  }
0x90: {  	s2 =	sld [smem:$0x3FD0];
	(tm) =	ssettm $0x1  }
0x91: {  	s18 =	sld [smem:$0x3FFB];
	_ =	sdelay $0x3  }
0x92: {  	_ =	strace s18  }
0x93: {  	s3 =	sld [smem:$0x3FFC];
	_ =	sdelay $0x3  }
0x94: {  	_ =	strace s3  }
0x95: {  	s3 =	sld [smem:$0x3FFD];
	_ =	sdelay $0x3  }
0x96: {  	_ =	strace s3  }
0x97: {  	_ =	strace $0x8FFFFFFF  }
0x98: {  	s19 =	sld [smem:$0x3FDB];
	_ =	sdelay $0x1  }
0x99: {  	s4 =	simm.s32 $_scs_section_size  }
0x9a: {  	s5 =	simm.s32 $_size__tile_overlayer_lowered;
	s6 =	simm.s32 $_tile_overlayer_lowered  }
0x9b: {  	s22 =	simm.s32 $0x1BFF;
	s21 =	sshll.u32 s6, $0x1;
	s3 =	sadd.s32 s4, s19  }
0x9c: {  	s7 =	simm.s32 $0x0;
	s20 =	sshll.u32 s5, $0x1;
	s5 =	sadd.s32 s21, s3  }
0x9d: {  	[timem:s7], [sflag:s22] =	dma.local [hbm:s5], s20  }
0x9e: {  	_ =	swait.ge [sflag:s22], s20  }
0x9f: {  	s4 =	ssub.s32 $0x0, s20;
	[sflag:s22] =	ssyncset.done $0x0  }
0xa0: {  	[sflag:s22] =	ssyncadd.s32 s4;
	_ =	sdelay $0x1  }
0xa1: {  	s23 =	simm.s32 $0x1B8B  }
0xa2: {  	_ =	swait.ge [sflag:s23], $0x1  }
0xa3: {  	[sflag:s23] =	ssyncset.done $0x0  }
0xa4: {  	s25 =	simm.s32 $0x1B8E;
	s24 =	sld [smem:$0x3FFE];
	[sflag:s23] =	ssyncadd.s32 $0xFFFFFFFF  }
0xa5: {  	s26 =	simm.s32 $execute0_lowered;
	[smem:$0x3FD2] =	sst s25  }
0xa6: {  	s5 =	sshll.u32 s26, $0x1;
	_ =	strace $0x80000046;
	[dreg:$0x1] =	wrdreg $0xFFFFFFFF  }
0xa7: {  	s28 =	simm.s32 $_size_execute0_lowered;
	s3 =	sadd.s32 s3, s5;
	[dreg:$0x0] =	wrdreg $0x0  }
0xa8: {  	s5 =	sshll.u32 s28, $0x1;
	[dreg:$0x2] =	wrdreg s3  }
0xa9: {  	[dreg:$0x3] =	wrdreg s5  }
0xaa: {  	[dreg:$0x4] =	wrdreg $0xC0  }
0xab: {  	_ =	task [dreg:s7], $0x5FFFF  }
0xac: {  	[dreg:$0x1] =	wrdreg $0xFFFFFFFF  }
0xad: {  	[dreg:$0x0] =	wrdreg $0x60  }
0xae: {  	[dreg:$0x2] =	wrdreg s2  }
0xaf: {  	[dreg:$0x3] =	wrdreg s24  }
0xb0: {  	[dreg:$0x4] =	wrdreg $0x0  }
0xb1: {  	[dreg:$0x5] =	wrdreg $0x138800  }
0xb2: {  	[dreg:$0x6] =	wrdreg $0x9  }
0xb3: {  	_ =	task.clear_ibuf [dreg:s7], $0x7FFFF;
	_ =	strace $0x90000046  }
0xb4: {  	s29 =	simm.s32 $0x9;
	_ =	strace $0x80000048  }
0xb5: {  	_ =	swait.ge [sflag:s29], $0x1  }
0xb6: {  	[sflag:s29] =	ssyncadd.s32 $0xFFFFFFFF  }
0xb7: {  	_ =	strace $0x90000048  }
0xb8: {  	_ =	sfence  }
0xb9: {  	s30 =	sld [smem:$0x0];
	_ =	sdelay $0x2  }
0xba: {  	s31 =	sshll.u32 s1, $0xD;
	s1 =	sshrl.u32 s1, $0x2  }
0xbb: {  	s3 =	sand.u32 $0x4000, s31;
	s1 =	sadd.s32 s1, s30  }
0xbc: {  	s0 =	sor.u32 s3, s0;
	s1 =	sshll.u32 s1, $0x11  }
0xbd: {  	s0 =	sor.u32 s1, s0  }
0xbe: {  	s0 =	sadd.s32 $0x8F2B, s0  }
0xbf: {  	[sflag:s0] =	ssyncadd.remote.s32 $0x1  }
0xc0: {  	_ =	sfence.sel $0xFFFF  }
0xc1: {  	[dreg:$0x0] =	wrdreg $0xFFFFFFFF;
	(pc) =	sbr.abs _section_cstart, $3  }
0xc2: {  	[dreg:$0x1] =	wrdreg $0xFFFFFFFF  }
0xc3: {  	_ =	task.clear_ibuf [dreg:s7], $0x2FFFF;
	_ =	strace $0x9FFFFFFF  }
0xc4: {  	(tm) =	ssettm $0x7FFFFFFF  }
0xc5: {  	_ =	shalt  }
tec
execute0_lowered:
.L_overlay_start_1:
0x0: {  	(tag) =	ssettag $0x1  }
0x1: {  	s1 =	rddreg [dreg:$0x0]  }
0x2: {  	s0 =	rddreg [dreg:$0x1]  }
0x3: {  	s3 =	rddreg [dreg:$0x2]  }
0x4: {  	s4 =	rddreg [dreg:$0x3];
	s2 =	srdreg.scid  }
0x5: {  	s10 =	stileid.u32;
	s11 =	simm.s32 $0x0;
	s13 =	simm.s32 $0x15F90  }
0x6: {  	s28 =	simm.s32 $0x1BF30;
	s29 =	simm.s32 $0x1;
	s30 =	simm.s32 $0x1E730  }
0x7: {  	s31 =	simm.s32 $0x2;
	s2 =	sand.u32 $0x1, s2;
	s5 =	smul.u32 $0x13880, s10  }
0x8: {  	[smem:$0x7FF] =	sst s11;
	s7 =	sadd.s32 $0x6800, s0;
	s19 =	sadd.s32 $0x1800, s0  }
0x9: {  	s20 =	sadd.s32 $0xC000, s0;
	_ =	strace $0x80000047;
	[dreg:$0x6] =	wrdreg s7  }
0xa: {  	s12 =	smul.u32 $0x2710, s10;
	s21 =	sadd.s32 $0xBA00, s0;
	[dreg:$0x7] =	wrdreg s19  }
0xb: {  	s22 =	sadd.s32 $0xB800, s0;
	s9 =	smul.u32 $0x9C40, s10;
	[dreg:$0x8] =	wrdreg s20  }
0xc: {  	s25 =	sshll.u32 s10, $0x6;
	s6 =	smul.u32 $0x138800, s2;
	[dreg:$0xa] =	wrdreg s21  }
0xd: {  	[dreg:$0xb] =	wrdreg s22;
	s8 =	ssub.s32 $0x2, s2;
	s10 =	sor.u32 $0x1C0A, s25  }
0xe: {  	p0 =	sne.s32 s2, $0x0;
	s21 =	simm.s32 $0x50;
	s22 =	simm.s32 $0x16F30  }
0xf: {  	s25 =	simm.s32 $0x19730;
	s23 =	sshrl.u32 s12, $0x3;
	[dreg:$0x9] =	wrdreg s12  }
0x10: {  	s24 =	sshrl.u32 s8, $0x1;
	s9 =	sshrl.u32 s9, $0x2;
	[dreg:$0xc] =	wrdreg s10  }
0x11: {  	s6 =	sadd.s32 s5, s6;
	s7 =	ssub.s32 s8, s24;
	s5 =	sadd.s32 s5, s3  }
0x12: {  	s8 =	sadd.s32 s9, s4;
	s6 =	sshrl.u32 s6, $0x3;
	s26 =	smax.u32 s7, $0x1  }
0x13: {  	s7 =	sshrl.u32 s5, $0x3;
	s5 =	sshrl.u32 @!p0 s8, $0x3;
	[dreg:$0xf] =	wrdreg s26  }
0x14: {  	s6 =	sadd.s32 s6, s0;
	s0 =	sadd.s32 s23, s0;
	[dreg:$0x11] =	wrdreg s5  }
0x15: {  	v0 =	vmov s2;
	s2 =	simm.s32 $0x3;
	[dreg:$0x10] =	wrdreg s7;
	s0 =	sadd.s32 $0xE800, s0  }
0x16: {  	s6 =	sadd.s32 $0x13800, s6;
	[dreg:$0xe] =	wrdreg s0;
	s0 =	sadd.s32 s12, s4  }
0x17: {  	s8 =	simm.s32 $0x1E7D0;
	[dreg:$0xd] =	wrdreg s6;
	s0 =	sshrl.u32 @!p0 s0, $0x3  }
0x18: {  	s12 =	simm.s32 $0xA;
	[dreg:$0x12] =	wrdreg s0;
	s0 =	simm.s32 $0x1E780  }
.LBB2_1:
0x19: {  	[dreg:$0x5] =	wrdreg s11  }
0x1a: {  	s5 =	rddreg [dreg:$0x8]  }
0x1b: {  	[spmem:s7], [sflag:s10] =	dma.local [hbm:s5], $0x2710  }
0x1c: {  	_ =	swait.ge [sflag:s12], $0x2710  }
0x1d: {  	[sflag:s12] =	ssyncset.done $0x0;
	s5 =	rddreg [dreg:$0xa]  }
0x1e: {  	s6 =	rddreg [dreg:$0x11];
	[sflag:s12] =	ssyncadd.s32 $0xFFFFD8F0  }
0x1f: {  	[spmem:s6], [sflag:s10] =	dma.local @!p0 [hbm:s5], $0x4E2  }
0x20: {  	s5 =	simm.s32 @!p0 $0xA  }
0x21: {  	_ =	swait.ge @!p0 [sflag:s5], $0x4E2  }
0x22: {  	s7 =	simm.s32 @!p0 $0x1E820;
	[sflag:s5] =	ssyncset.done @!p0 $0x0  }
0x23: {  	s6 =	simm.s32 @!p0 $0x0;
	s9 =	rddreg [dreg:$0xb];
	[sflag:s5] =	ssyncadd.s32 @!p0 $0xFFFFFB1E  }
0x24: {  	[tilespmem:s7], [sflag:$0xA] =	stream.linear.gather @!p0 [hbm4b:s9+s6], $0x500, $0x38;
	[tilespmem:$0x1ED20] =	vst v63  }
0x25: {  	_ =	swait.ge @!p0 [sflag:s5], $0x500  }
0x26: {  	[sflag:s5] =	ssyncset.done @!p0 $0x0  }
0x27: {  	[sflag:s5] =	ssyncadd.s32 @!p0 $0xFFFFFB00  }
0x28: {  	s11 =	simm.s32 $0x0;
	[bflag:$0x0] =	sbarrier.arrive $0xFFFF  }
.LBB2_2:
0x29: {  	s5 =	smul.u32 $0x7D0, s11  }
0x2a: {  	s6 =	rddreg [dreg:$0x9]  }
0x2b: {  	s5 =	sadd.s32 s6, s5  }
0x2c: {  	s23 =	rddreg [dreg:$0x6];
	s5 =	sshrl.u32 s5, $0x3  }
0x2d: {  	s7 =	simm.s32 $0x0;
	s6 =	sadd.s32 s23, s5  }
0x2e: {  	[tilespmem:s13], [sflag:$0xA] =	stream.linear.gather [hbm4b:s6+s7], $0x7D0, $0x38;
	[tilespmem:$0x1ED20] =	vst v63  }
0x2f: {  	_ =	swait.ge [sflag:s12], $0x7D0  }
0x30: {  	[sflag:s12] =	ssyncset.done $0x0;
	s24 =	rddreg [dreg:$0x7]  }
0x31: {  	s26 =	simm.s32 $0x16760;
	[sflag:s12] =	ssyncadd.s32 $0xFFFFF830;
	s5 =	sadd.s32 s24, s5  }
0x32: {  	[tilespmem:s26], [sflag:$0xA] =	stream.linear.gather [hbm4b:s5+s7], $0x7D0, $0x38;
	[tilespmem:$0x1ED20] =	vst v63  }
0x33: {  	_ =	swait.ge [sflag:s12], $0x7D0  }
0x34: {  	[sflag:s12] =	ssyncset.done $0x0  }
0x35: {  	s6 =	simm.s32 $0x40;
	s5 =	simm.s32 $0x0;
	[sflag:s12] =	ssyncadd.s32 $0xFFFFF830  }
.LBB2_3:
0x36: {  	p1 =	sne.s32 s6, $0x1F00;
	v1 =	vld [tilespmem:s5+$0x15F90];
	_ =	sdelay $0x2  }
.Ltmp0:
0x37: {  	(pc) =	sbr.rel @p1 .LBB2_3-.Ltmp0, $4  }
0x38: {  	_ = 	snop  }
0x39: {  	v1 =	vshll.u32 v1, $0x1  }
0x3a: {  	v1 =	vor.u32 v0, v1  }
0x3b: {  	[tilespmem:s5+$0x15F90] =	vst v1;
	s5 =	sshra.s32 s6, $0x2;
	s6 =	sadd.s32 $0x40, s6  }
0x3c: {  	v1 =	vld [tilespmem:s5+$0x15F90];
	_ =	sdelay $0x4  }
0x3d: {  	v1 =	vshll.u32 v1, $0x1  }
0x3e: {  	v1 =	vor.u32 v0, v1  }
0x3f: {  	[tilespmem:s5+$0x15F90] =	vst v1  }
0x40: {  	[tilespmem:s22], [sflag:$0x1] =	stream.indirect.gather [hbm4b:s1+s21], $0x80, s13, s21, $0xb8;
	[tilespmem:$0x1ED20] =	vst v63  }
0x41: {  	s23 =	simm.s32 $0x15FE0  }
0x42: {  	[tilespmem:s25], [sflag:$0x2] =	stream.indirect.gather [hbm4b:s1+s21], $0x80, s23, s21, $0xb8;
	[tilespmem:$0x1ED20] =	vst v63  }
0x43: {  	s24 =	simm.s32 $0x16030  }
0x44: {  	[tilespmem:s28], [sflag:$0x3] =	stream.indirect.gather [hbm4b:s1+s21], $0x80, s24, s21, $0xb8;
	[tilespmem:$0x1ED20] =	vst v63  }
0x45: {  	_ =	swait.ge [sflag:s29], $0x2800  }
0x46: {  	[sflag:s29] =	ssyncset.done $0x0  }
0x47: {  	s6 =	simm.s32 $0x0;
	[sflag:s29] =	ssyncadd.s32 $0xFFFFD800  }
0x48: {  	v1 =	vld [tilespmem:s6+$0x16760];
	_ =	sdelay $0x4  }
0x49: {  	[tilespmem:$0x1E730] =	vst v1  }
0x4a: {  	v1 =	vld [tilespmem:s6+$0x16770];
	_ =	sdelay $0x4  }
0x4b: {  	[tilespmem:$0x1E740] =	vst v1  }
0x4c: {  	v1 =	vld [tilespmem:s6+$0x16780];
	_ =	sdelay $0x4  }
0x4d: {  	[tilespmem:$0x1E750] =	vst v1  }
0x4e: {  	v1 =	vld [tilespmem:s6+$0x16790];
	_ =	sdelay $0x4  }
0x4f: {  	[tilespmem:$0x1E760] =	vst v1  }
0x50: {  	v1 =	vld [tilespmem:s6+$0x167A0];
	_ =	sdelay $0x4  }
0x51: {  	s13 =	simm.s32 @p0 $0x4;
	[tilespmem:$0x1E770] =	vst v1  }
0x52: {  	[spmem:s3] =	stream.indirect.scatter.add.f32 [tilespmem:s22], [sflag:$0x4], $0x80, s30, s21, $0xb8;
	[tilespmem:$0x1ED20] =	vst v63  }
0x53: {  	_ =	swait.ge @p0 [sflag:s13], $0x2800  }
0x54: {  	s15 =	simm.s32 @!p0 $0x1E820;
	s14 =	simm.s32 @!p0 $0x4;
	[sflag:s13] =	ssyncset.done @p0 $0x0  }
0x55: {  	s16 =	simm.s32 @!p0 $0x1E730;
	s24 =	simm.s32 @!p0 $0x50;
	[sflag:s13] =	ssyncadd.s32 @p0 $0xFFFFD800  }
0x56: {  	[spmem:s4] =	stream.indirect.scatter.add.f32 @!p0 [tilespmem:s15], [sflag:$0x7], $0x10, s16, s24, $0xb8;
	[tilespmem:$0x1ED20] =	vst v63  }
0x57: {  	_ =	swait.ge @!p0 [sflag:s14], $0x2800  }
0x58: {  	[sflag:s14] =	ssyncset.done @!p0 $0x0  }
0x59: {  	s18 =	simm.s32 @!p0 $0x7;
	[sflag:s14] =	ssyncadd.s32 @!p0 $0xFFFFD800  }
0x5a: {  	_ =	swait.ge @!p0 [sflag:s18], $0x500  }
0x5b: {  	[sflag:s18] =	ssyncset.done @!p0 $0x0  }
0x5c: {  	s26 =	simm.s32 $0x16080;
	[sflag:s18] =	ssyncadd.s32 @!p0 $0xFFFFFB00  }
0x5d: {  	[tilespmem:s22], [sflag:$0x1] =	stream.indirect.gather [hbm4b:s1+s21], $0x80, s26, s21, $0xb8;
	[tilespmem:$0x1ED20] =	vst v63  }
0x5e: {  	_ =	swait.ge [sflag:s31], $0x2800  }
0x5f: {  	[sflag:s31] =	ssyncset.done $0x0  }
0x60: {  	[sflag:s31] =	ssyncadd.s32 $0xFFFFD800  }
0x61: {  	v1 =	vld [tilespmem:s6+$0x167B0];
	_ =	sdelay $0x4  }
0x62: {  	[tilespmem:$0x1E780] =	vst v1  }
0x63: {  	v1 =	vld [tilespmem:s6+$0x167C0];
	_ =	sdelay $0x4  }
0x64: {  	[tilespmem:$0x1E790] =	vst v1  }
0x65: {  	v1 =	vld [tilespmem:s6+$0x167D0];
	_ =	sdelay $0x4  }
0x66: {  	[tilespmem:$0x1E7A0] =	vst v1  }
0x67: {  	v1 =	vld [tilespmem:s6+$0x167E0];
	_ =	sdelay $0x4  }
0x68: {  	[tilespmem:$0x1E7B0] =	vst v1  }
0x69: {  	v1 =	vld [tilespmem:s6+$0x167F0];
	_ =	sdelay $0x4  }
0x6a: {  	s12 =	simm.s32 @p0 $0x5;
	[tilespmem:$0x1E7C0] =	vst v1  }
0x6b: {  	[spmem:s3] =	stream.indirect.scatter.add.f32 [tilespmem:s25], [sflag:$0x5], $0x80, s0, s21, $0xb8;
	[tilespmem:$0x1ED20] =	vst v63  }
0x6c: {  	_ =	swait.ge @p0 [sflag:s12], $0x2800  }
0x6d: {  	[sflag:s12] =	ssyncset.done @p0 $0x0  }
0x6e: {  	s20 =	simm.s32 @!p0 $0x1E780;
	s5 =	simm.s32 @!p0 $0x5;
	[sflag:s12] =	ssyncadd.s32 @p0 $0xFFFFD800  }
0x6f: {  	[spmem:s4] =	stream.indirect.scatter.add.f32 @!p0 [tilespmem:s15], [sflag:$0x8], $0x10, s20, s24, $0xb8;
	[tilespmem:$0x1ED20] =	vst v63  }
0x70: {  	_ =	swait.ge @!p0 [sflag:s5], $0x2800  }
0x71: {  	[sflag:s5] =	ssyncset.done @!p0 $0x0  }
0x72: {  	s23 =	simm.s32 @!p0 $0x8;
	[sflag:s5] =	ssyncadd.s32 @!p0 $0xFFFFD800  }
0x73: {  	_ =	swait.ge @!p0 [sflag:s23], $0x500  }
0x74: {  	[sflag:s23] =	ssyncset.done @!p0 $0x0  }
0x75: {  	s7 =	simm.s32 $0x160D0;
	[sflag:s23] =	ssyncadd.s32 @!p0 $0xFFFFFB00  }
0x76: {  	[tilespmem:s25], [sflag:$0x2] =	stream.indirect.gather [hbm4b:s1+s21], $0x80, s7, s21, $0xb8;
	[tilespmem:$0x1ED20] =	vst v63  }
0x77: {  	_ =	swait.ge [sflag:s2], $0x2800  }
0x78: {  	[sflag:s2] =	ssyncset.done $0x0  }
0x79: {  	[sflag:s2] =	ssyncadd.s32 $0xFFFFD800  }
0x7a: {  	v1 =	vld [tilespmem:s6+$0x16800];
	_ =	sdelay $0x4  }
0x7b: {  	[tilespmem:$0x1E7D0] =	vst v1  }
0x7c: {  	v1 =	vld [tilespmem:s6+$0x16810];
	_ =	sdelay $0x4  }
0x7d: {  	[tilespmem:$0x1E7E0] =	vst v1  }
0x7e: {  	v1 =	vld [tilespmem:s6+$0x16820];
	_ =	sdelay $0x4  }
0x7f: {  	[tilespmem:$0x1E7F0] =	vst v1  }
0x80: {  	v1 =	vld [tilespmem:s6+$0x16830];
	_ =	sdelay $0x4  }
0x81: {  	[tilespmem:$0x1E800] =	vst v1  }
0x82: {  	v1 =	vld [tilespmem:s6+$0x16840];
	_ =	sdelay $0x4  }
0x83: {  	s26 =	simm.s32 @p0 $0x6;
	[tilespmem:$0x1E810] =	vst v1  }
0x84: {  	[spmem:s3] =	stream.indirect.scatter.add.f32 [tilespmem:s28], [sflag:$0x6], $0x80, s8, s21, $0xb8;
	[tilespmem:$0x1ED20] =	vst v63  }
0x85: {  	_ =	swait.ge @p0 [sflag:s26], $0x2800  }
0x86: {  	[sflag:s26] =	ssyncset.done @p0 $0x0  }
0x87: {  	s10 =	simm.s32 @!p0 $0x6;
	s6 =	simm.s32 @!p0 $0x1E7D0;
	[sflag:s26] =	ssyncadd.s32 @p0 $0xFFFFD800  }
0x88: {  	[spmem:s4] =	stream.indirect.scatter.add.f32 @!p0 [tilespmem:s15], [sflag:$0x9], $0x10, s6, s24, $0xb8;
	[tilespmem:$0x1ED20] =	vst v63  }
0x89: {  	_ =	swait.ge @!p0 [sflag:s10], $0x2800  }
0x8a: {  	[sflag:s10] =	ssyncset.done @!p0 $0x0  }
0x8b: {  	s7 =	simm.s32 @!p0 $0x9;
	[sflag:s10] =	ssyncadd.s32 @!p0 $0xFFFFD800  }
0x8c: {  	_ =	swait.ge @!p0 [sflag:s7], $0x500  }
0x8d: {  	[sflag:s7] =	ssyncset.done @!p0 $0x0  }
0x8e: {  	s9 =	simm.s32 $0x3C0;
	s19 =	simm.s32 $0x16120;
	[sflag:s7] =	ssyncadd.s32 @!p0 $0xFFFFFB00  }
.LBB2_5:
0x8f: {  	[tilespmem:s28], [sflag:$0x3] =	stream.indirect.gather [hbm4b:s1+s21], $0x80, s19, s21, $0xb8;
	[tilespmem:$0x1ED20] =	vst v63  }
0x90: {  	s19 =	smov.u32 s9;
	s9 =	sadd.s32 $0x3C0, s9;
	_ =	swait.ge [sflag:s29], $0x2800  }
0x91: {  	p1 =	sne.s32 s9, $0x1A40;
	[sflag:s29] =	ssyncset.done $0x0  }
0x92: {  	s19 =	sshra.s32 s19, $0x2;
	[sflag:s29] =	ssyncadd.s32 $0xFFFFD800  }
0x93: {  	v1 =	vld [tilespmem:s19+$0x16760];
	_ =	sdelay $0x4  }
0x94: {  	[tilespmem:$0x1E730] =	vst v1  }
0x95: {  	v1 =	vld [tilespmem:s19+$0x16770];
	_ =	sdelay $0x4  }
0x96: {  	[tilespmem:$0x1E740] =	vst v1  }
0x97: {  	v1 =	vld [tilespmem:s19+$0x16780];
	_ =	sdelay $0x4  }
0x98: {  	[tilespmem:$0x1E750] =	vst v1  }
0x99: {  	v1 =	vld [tilespmem:s19+$0x16790];
	_ =	sdelay $0x4  }
0x9a: {  	[tilespmem:$0x1E760] =	vst v1  }
0x9b: {  	v1 =	vld [tilespmem:s19+$0x167A0];
	_ =	sdelay $0x4  }
0x9c: {  	[tilespmem:$0x1E770] =	vst v1  }
0x9d: {  	[spmem:s3] =	stream.indirect.scatter.add.f32 [tilespmem:s22], [sflag:$0x4], $0x80, s30, s21, $0xb8;
	[tilespmem:$0x1ED20] =	vst v63  }
0x9e: {  	_ =	swait.ge @p0 [sflag:s13], $0x2800  }
0x9f: {  	[sflag:s13] =	ssyncset.done @p0 $0x0  }
0xa0: {  	[sflag:s13] =	ssyncadd.s32 @p0 $0xFFFFD800  }
0xa1: {  	[spmem:s4] =	stream.indirect.scatter.add.f32 @!p0 [tilespmem:s15], [sflag:$0x7], $0x10, s16, s24, $0xb8;
	[tilespmem:$0x1ED20] =	vst v63  }
0xa2: {  	_ =	swait.ge @!p0 [sflag:s14], $0x2800  }
0xa3: {  	[sflag:s14] =	ssyncset.done @!p0 $0x0  }
0xa4: {  	[sflag:s14] =	ssyncadd.s32 @!p0 $0xFFFFD800  }
0xa5: {  	_ =	swait.ge @!p0 [sflag:s18], $0x500  }
0xa6: {  	[sflag:s18] =	ssyncset.done @!p0 $0x0  }
0xa7: {  	s17 =	sadd.s32 $0x16080, s19;
	[sflag:s18] =	ssyncadd.s32 @!p0 $0xFFFFFB00  }
0xa8: {  	[tilespmem:s22], [sflag:$0x1] =	stream.indirect.gather [hbm4b:s1+s21], $0x80, s17, s21, $0xb8;
	[tilespmem:$0x1ED20] =	vst v63  }
0xa9: {  	_ =	swait.ge [sflag:s31], $0x2800  }
0xaa: {  	[sflag:s31] =	ssyncset.done $0x0  }
0xab: {  	[sflag:s31] =	ssyncadd.s32 $0xFFFFD800  }
0xac: {  	v1 =	vld [tilespmem:s19+$0x167B0];
	_ =	sdelay $0x4  }
0xad: {  	[tilespmem:$0x1E780] =	vst v1  }
0xae: {  	v1 =	vld [tilespmem:s19+$0x167C0];
	_ =	sdelay $0x4  }
0xaf: {  	[tilespmem:$0x1E790] =	vst v1  }
0xb0: {  	v1 =	vld [tilespmem:s19+$0x167D0];
	_ =	sdelay $0x4  }
0xb1: {  	[tilespmem:$0x1E7A0] =	vst v1  }
0xb2: {  	v1 =	vld [tilespmem:s19+$0x167E0];
	_ =	sdelay $0x4  }
0xb3: {  	[tilespmem:$0x1E7B0] =	vst v1  }
0xb4: {  	v1 =	vld [tilespmem:s19+$0x167F0];
	_ =	sdelay $0x4  }
0xb5: {  	[tilespmem:$0x1E7C0] =	vst v1  }
0xb6: {  	[spmem:s3] =	stream.indirect.scatter.add.f32 [tilespmem:s25], [sflag:$0x5], $0x80, s0, s21, $0xb8;
	[tilespmem:$0x1ED20] =	vst v63  }
0xb7: {  	_ =	swait.ge @p0 [sflag:s12], $0x2800  }
0xb8: {  	[sflag:s12] =	ssyncset.done @p0 $0x0  }
0xb9: {  	[sflag:s12] =	ssyncadd.s32 @p0 $0xFFFFD800  }
0xba: {  	[spmem:s4] =	stream.indirect.scatter.add.f32 @!p0 [tilespmem:s15], [sflag:$0x8], $0x10, s20, s24, $0xb8;
	[tilespmem:$0x1ED20] =	vst v63  }
0xbb: {  	_ =	swait.ge @!p0 [sflag:s5], $0x2800  }
0xbc: {  	[sflag:s5] =	ssyncset.done @!p0 $0x0  }
0xbd: {  	[sflag:s5] =	ssyncadd.s32 @!p0 $0xFFFFD800  }
0xbe: {  	_ =	swait.ge @!p0 [sflag:s23], $0x500  }
0xbf: {  	[sflag:s23] =	ssyncset.done @!p0 $0x0  }
0xc0: {  	s17 =	sadd.s32 $0x160D0, s19;
	[sflag:s23] =	ssyncadd.s32 @!p0 $0xFFFFFB00  }
0xc1: {  	[tilespmem:s25], [sflag:$0x2] =	stream.indirect.gather [hbm4b:s1+s21], $0x80, s17, s21, $0xb8;
	[tilespmem:$0x1ED20] =	vst v63  }
0xc2: {  	_ =	swait.ge [sflag:s2], $0x2800  }
0xc3: {  	[sflag:s2] =	ssyncset.done $0x0  }
0xc4: {  	[sflag:s2] =	ssyncadd.s32 $0xFFFFD800  }
0xc5: {  	v1 =	vld [tilespmem:s19+$0x16800];
	_ =	sdelay $0x4  }
0xc6: {  	[tilespmem:$0x1E7D0] =	vst v1  }
0xc7: {  	v1 =	vld [tilespmem:s19+$0x16810];
	_ =	sdelay $0x4  }
0xc8: {  	[tilespmem:$0x1E7E0] =	vst v1  }
0xc9: {  	v1 =	vld [tilespmem:s19+$0x16820];
	_ =	sdelay $0x4  }
0xca: {  	[tilespmem:$0x1E7F0] =	vst v1  }
0xcb: {  	v1 =	vld [tilespmem:s19+$0x16830];
	_ =	sdelay $0x4  }
0xcc: {  	[tilespmem:$0x1E800] =	vst v1  }
0xcd: {  	v1 =	vld [tilespmem:s19+$0x16840];
	_ =	sdelay $0x4  }
0xce: {  	[tilespmem:$0x1E810] =	vst v1  }
0xcf: {  	[spmem:s3] =	stream.indirect.scatter.add.f32 [tilespmem:s28], [sflag:$0x6], $0x80, s8, s21, $0xb8;
	[tilespmem:$0x1ED20] =	vst v63  }
0xd0: {  	_ =	swait.ge @p0 [sflag:s26], $0x2800  }
0xd1: {  	[sflag:s26] =	ssyncset.done @p0 $0x0  }
0xd2: {  	[sflag:s26] =	ssyncadd.s32 @p0 $0xFFFFD800  }
0xd3: {  	[spmem:s4] =	stream.indirect.scatter.add.f32 @!p0 [tilespmem:s15], [sflag:$0x9], $0x10, s6, s24, $0xb8;
	[tilespmem:$0x1ED20] =	vst v63  }
0xd4: {  	_ =	swait.ge @!p0 [sflag:s10], $0x2800  }
.Ltmp1:
0xd5: {  	[sflag:s10] =	ssyncset.done @!p0 $0x0;
	(pc) =	sbr.rel @p1 .LBB2_5-.Ltmp1, $4  }
0xd6: {  	[sflag:s10] =	ssyncadd.s32 @!p0 $0xFFFFD800  }
0xd7: {  	_ =	swait.ge @!p0 [sflag:s7], $0x500  }
0xd8: {  	[sflag:s7] =	ssyncset.done @!p0 $0x0  }
0xd9: {  	s19 =	sadd.s32 $0x16120, s19;
	[sflag:s7] =	ssyncadd.s32 @!p0 $0xFFFFFB00  }
0xda: {  	[tilespmem:s28], [sflag:$0x3] =	stream.indirect.gather [hbm4b:s1+s21], $0x80, s19, s21, $0xb8;
	[tilespmem:$0x1ED20] =	vst v63  }
0xdb: {  	_ =	swait.ge [sflag:s29], $0x2800  }
0xdc: {  	[sflag:s29] =	ssyncset.done $0x0  }
0xdd: {  	[sflag:s29] =	ssyncadd.s32 $0xFFFFD800  }
0xde: {  	v1 =	vld [tilespmem:$0x16DF0]  }
0xdf: {  	v2 =	vld [tilespmem:$0x16E00]  }
0xe0: {  	v3 =	vld [tilespmem:$0x16E10]  }
0xe1: {  	v4 =	vld [tilespmem:$0x16E20]  }
0xe2: {  	v5 =	vld [tilespmem:$0x16E30]  }
0xe3: {  	[tilespmem:$0x1E730] =	vst v1  }
0xe4: {  	[tilespmem:$0x1E740] =	vst v2  }
0xe5: {  	[tilespmem:$0x1E750] =	vst v3  }
0xe6: {  	[tilespmem:$0x1E760] =	vst v4  }
0xe7: {  	[tilespmem:$0x1E770] =	vst v5  }
0xe8: {  	[spmem:s3] =	stream.indirect.scatter.add.f32 [tilespmem:s22], [sflag:$0x4], $0x80, s30, s21, $0xb8;
	[tilespmem:$0x1ED20] =	vst v63  }
0xe9: {  	_ =	swait.ge @p0 [sflag:s13], $0x2800  }
0xea: {  	[sflag:s13] =	ssyncset.done @p0 $0x0  }
0xeb: {  	[sflag:s13] =	ssyncadd.s32 @p0 $0xFFFFD800  }
0xec: {  	[spmem:s4] =	stream.indirect.scatter.add.f32 @!p0 [tilespmem:s15], [sflag:$0x7], $0x10, s16, s24, $0xb8;
	[tilespmem:$0x1ED20] =	vst v63  }
0xed: {  	_ =	swait.ge @!p0 [sflag:s14], $0x2800  }
0xee: {  	[sflag:s14] =	ssyncset.done @!p0 $0x0  }
0xef: {  	[sflag:s14] =	ssyncadd.s32 @!p0 $0xFFFFD800  }
0xf0: {  	_ =	swait.ge @!p0 [sflag:s18], $0x500  }
0xf1: {  	[sflag:s18] =	ssyncset.done @!p0 $0x0  }
0xf2: {  	s9 =	simm.s32 $0x16710;
	[sflag:s18] =	ssyncadd.s32 @!p0 $0xFFFFFB00  }
0xf3: {  	[tilespmem:s22], [sflag:$0x1] =	stream.indirect.gather [hbm4b:s1+s21], $0x80, s9, s21, $0xb8;
	[tilespmem:$0x1ED20] =	vst v63  }
0xf4: {  	_ =	swait.ge [sflag:s31], $0x2800  }
0xf5: {  	[sflag:s31] =	ssyncset.done $0x0  }
0xf6: {  	[sflag:s31] =	ssyncadd.s32 $0xFFFFD800  }
0xf7: {  	v1 =	vld [tilespmem:$0x16E40]  }
0xf8: {  	v2 =	vld [tilespmem:$0x16E50]  }
0xf9: {  	v3 =	vld [tilespmem:$0x16E60]  }
0xfa: {  	v58 =	vld [tilespmem:$0x16E70]  }
0xfb: {  	v59 =	vld [tilespmem:$0x16E80]  }
0xfc: {  	[tilespmem:$0x1E780] =	vst v1  }
0xfd: {  	[tilespmem:$0x1E790] =	vst v2  }
0xfe: {  	[tilespmem:$0x1E7A0] =	vst v3  }
0xff: {  	[tilespmem:$0x1E7B0] =	vst v58  }
0x100: {  	[tilespmem:$0x1E7C0] =	vst v59  }
0x101: {  	[spmem:s3] =	stream.indirect.scatter.add.f32 [tilespmem:s25], [sflag:$0x5], $0x80, s0, s21, $0xb8;
	[tilespmem:$0x1ED20] =	vst v63  }
0x102: {  	_ =	swait.ge @p0 [sflag:s12], $0x2800  }
0x103: {  	[sflag:s12] =	ssyncset.done @p0 $0x0  }
0x104: {  	[sflag:s12] =	ssyncadd.s32 @p0 $0xFFFFD800  }
0x105: {  	[spmem:s4] =	stream.indirect.scatter.add.f32 @!p0 [tilespmem:s15], [sflag:$0x8], $0x10, s20, s24, $0xb8;
	[tilespmem:$0x1ED20] =	vst v63  }
0x106: {  	_ =	swait.ge @!p0 [sflag:s5], $0x2800  }
0x107: {  	[sflag:s5] =	ssyncset.done @!p0 $0x0  }
0x108: {  	[sflag:s5] =	ssyncadd.s32 @!p0 $0xFFFFD800  }
0x109: {  	_ =	swait.ge @!p0 [sflag:s23], $0x500  }
0x10a: {  	[sflag:s23] =	ssyncset.done @!p0 $0x0  }
0x10b: {  	[sflag:s23] =	ssyncadd.s32 @!p0 $0xFFFFFB00  }
0x10c: {  	_ =	swait.ge [sflag:s2], $0x2800  }
0x10d: {  	[sflag:s2] =	ssyncset.done $0x0  }
0x10e: {  	[sflag:s2] =	ssyncadd.s32 $0xFFFFD800  }
0x10f: {  	v1 =	vld [tilespmem:$0x16E90]  }
0x110: {  	v2 =	vld [tilespmem:$0x16EA0]  }
0x111: {  	v3 =	vld [tilespmem:$0x16EB0]  }
0x112: {  	v60 =	vld [tilespmem:$0x16EC0]  }
0x113: {  	v61 =	vld [tilespmem:$0x16ED0]  }
0x114: {  	[tilespmem:$0x1E7D0] =	vst v1  }
0x115: {  	[tilespmem:$0x1E7E0] =	vst v2  }
0x116: {  	[tilespmem:$0x1E7F0] =	vst v3  }
0x117: {  	[tilespmem:$0x1E800] =	vst v60  }
0x118: {  	[tilespmem:$0x1E810] =	vst v61  }
0x119: {  	[spmem:s3] =	stream.indirect.scatter.add.f32 [tilespmem:s28], [sflag:$0x6], $0x80, s8, s21, $0xb8;
	[tilespmem:$0x1ED20] =	vst v63  }
0x11a: {  	_ =	swait.ge @p0 [sflag:s26], $0x2800  }
0x11b: {  	[sflag:s26] =	ssyncset.done @p0 $0x0  }
0x11c: {  	[sflag:s26] =	ssyncadd.s32 @p0 $0xFFFFD800  }
0x11d: {  	[spmem:s4] =	stream.indirect.scatter.add.f32 @!p0 [tilespmem:s15], [sflag:$0x9], $0x10, s6, s24, $0xb8;
	[tilespmem:$0x1ED20] =	vst v63  }
0x11e: {  	_ =	swait.ge @!p0 [sflag:s10], $0x2800  }
0x11f: {  	[sflag:s10] =	ssyncset.done @!p0 $0x0  }
0x120: {  	[sflag:s10] =	ssyncadd.s32 @!p0 $0xFFFFD800  }
0x121: {  	_ =	swait.ge @!p0 [sflag:s7], $0x500  }
0x122: {  	[sflag:s7] =	ssyncset.done @!p0 $0x0  }
0x123: {  	[sflag:s7] =	ssyncadd.s32 @!p0 $0xFFFFFB00  }
0x124: {  	_ =	swait.ge [sflag:s29], $0x2800  }
0x125: {  	[sflag:s29] =	ssyncset.done $0x0  }
0x126: {  	[sflag:s29] =	ssyncadd.s32 $0xFFFFD800  }
0x127: {  	v1 =	vld [tilespmem:$0x16EE0]  }
0x128: {  	v2 =	vld [tilespmem:$0x16EF0]  }
0x129: {  	v3 =	vld [tilespmem:$0x16F00]  }
0x12a: {  	v62 =	vld [tilespmem:$0x16F10]  }
0x12b: {  	v63 =	vld [tilespmem:$0x16F20]  }
0x12c: {  	[tilespmem:$0x1E730] =	vst v1  }
0x12d: {  	[tilespmem:$0x1E740] =	vst v2  }
0x12e: {  	[tilespmem:$0x1E750] =	vst v3  }
0x12f: {  	[tilespmem:$0x1E760] =	vst v62  }
0x130: {  	[tilespmem:$0x1E770] =	vst v63  }
0x131: {  	[spmem:s3] =	stream.indirect.scatter.add.f32 [tilespmem:s22], [sflag:$0x4], $0x80, s30, s21, $0xb8;
	[tilespmem:$0x1ED20] =	vst v63  }
0x132: {  	_ =	swait.ge @p0 [sflag:s13], $0x2800  }
0x133: {  	[sflag:s13] =	ssyncset.done @p0 $0x0  }
0x134: {  	s11 =	sadd.s32 $0x1, s11;
	[sflag:s13] =	ssyncadd.s32 @p0 $0xFFFFD800  }
0x135: {  	[spmem:s4] =	stream.indirect.scatter.add.f32 @!p0 [tilespmem:s15], [sflag:$0x7], $0x10, s16, s24, $0xb8;
	[tilespmem:$0x1ED20] =	vst v63  }
0x136: {  	p1 =	sne.s32 s11, $0x5;
	_ =	swait.ge @!p0 [sflag:s14], $0x2800  }
.Ltmp2:
0x137: {  	[sflag:s14] =	ssyncset.done @!p0 $0x0;
	(pc) =	sbr.rel @p1 .LBB2_2-.Ltmp2, $4  }
0x138: {  	[sflag:s14] =	ssyncadd.s32 @!p0 $0xFFFFD800  }
0x139: {  	_ =	swait.ge @!p0 [sflag:s18], $0x500  }
0x13a: {  	[sflag:s18] =	ssyncset.done @!p0 $0x0  }
0x13b: {  	s12 =	simm.s32 $0xA;
	s13 =	simm.s32 $0x15F90;
	[sflag:s18] =	ssyncadd.s32 @!p0 $0xFFFFFB00  }
0x13c: {  	[bflag:$0x0] =	sbarrier.arrive $0xFFFF  }
0x13d: {  	s10 =	rddreg [dreg:$0xc]  }
0x13e: {  	s5 =	rddreg [dreg:$0xd]  }
0x13f: {  	s7 =	rddreg [dreg:$0x10]  }
0x140: {  	[hbm:s5], [sflag:s10] =	dma.local [spmem:s7], $0x2710  }
0x141: {  	_ =	swait.ge [sflag:s12], $0x2710  }
0x142: {  	[sflag:s12] =	ssyncset.done $0x0;
	s5 =	rddreg [dreg:$0xe]  }
0x143: {  	s6 =	rddreg [dreg:$0x12];
	[sflag:s12] =	ssyncadd.s32 $0xFFFFD8F0  }
0x144: {  	[hbm:s5], [sflag:s10] =	dma.local @!p0 [spmem:s6], $0x4E2  }
0x145: {  	s5 =	simm.s32 @!p0 $0xA  }
0x146: {  	_ =	swait.ge @!p0 [sflag:s5], $0x4E2  }
0x147: {  	s11 =	rddreg [dreg:$0x5]  }
0x148: {  	s26 =	rddreg [dreg:$0xf];
	s11 =	sadd.s32 $0x1, s11  }
0x149: {  	p1 =	sne.s32 s11, s26  }
.Ltmp3:
0x14a: {  	_ = 	snop;
	(pc) =	sbr.rel @p1 .LBB2_1-.Ltmp3, $3  }
0x14b: {  	_ =	sdelay $0x1  }
0x14c: {  	[sflag:s5] =	ssyncset.done @!p0 $0x0  }
0x14d: {  	[sflag:s5] =	ssyncadd.s32 @!p0 $0xFFFFFB1E  }
0x14e: {  	_ =	sfence.sel $0x180000  }
0x14f: {  	[bflag:$0x0] =	sbarrier.arrive $0xFFFF  }
0x150: {  	_ =	strace $0x90000047  }
0x151: {  	s0 =	stileid.u32;
	[bflag:$0x2] =	sbarrier.arrive $0xFFFF  }
0x152: {  	p0 =	sne.s32 s0, $0x0;
	s0 =	rddreg [dreg:$0x4]  }
0x153: {  	s0 =	sadd.s32 @!p0 $0x100000, s0  }
0x154: {  	[sflag:s0] =	ssyncadd.tile.s32 @!p0 $0x1;
	_ =	shalt  }
.Lfunc_end2:
_tile_overlayer_lowered:
.L_overlay_start_2:
0x155: {  	(tag) =	ssettag $0x2  }
0x156: {  	s0 =	rddreg [dreg:$0x0];
	s2 =	stileid.u32  }
0x157: {  	s1 =	rddreg [dreg:$0x1];
	p0 =	sne.s32 s2, $0x0  }
0x158: {  	s3 =	rddreg [dreg:$0x2];
	[bflag:$0x3] =	sbarrier.arrive $0xFFFF;
	s2 =	simm.s32 @!p0 $0x1C0A  }
0x159: {  	[timem:s3], [sflag:s2] =	dma.local @!p0 [hbm:s0], s1  }
0x15a: {  	s0 =	simm.s32 @!p0 $0xA  }
0x15b: {  	_ =	swait.ge @!p0 [sflag:s0], s1  }
0x15c: {  	s1 =	ssub.s32 @!p0 $0x0, s1;
	[sflag:s0] =	ssyncset.done @!p0 $0x0  }
0x15d: {  	[sflag:s0] =	ssyncadd.s32 @!p0 s1  }
0x15e: {  	[bflag:$0x3] =	sbarrier.arrive $0xFFFF  }
0x15f: {  	_ =	shalt  }

</sc_bundles>
